<compile_context>
chip_gen: v7x
topology: tpu7x:2x2x1
jax: 0.10.2.dev20260603
libtpu: 0.0.44.dev20260713+nightly
codegen_flags: <defaults>
</compile_context>

<pallas_src>
import functools

import jax
import jax.numpy as jnp
from jax import lax
from jax.experimental import pallas as pl
from jax.experimental.pallas import tpu as pltpu
from jax.experimental.pallas import tpu_sc as plsc

B = 4
N = 4096
C = 2048
NW = 32
CPW = 256
LG = CPW // 16
CB = C // CPW
UNITS = B * CB
UPW = UNITS // NW
RCHUNK = 64
NCHUNK = N // RCHUNK
T = UPW * NCHUNK
SLOTS = 2


def _sc_cumsum(x2):
    mesh = plsc.VectorSubcoreMesh(core_axis_name="c", subcore_axis_name="s")

    @functools.partial(
        pl.kernel,
        mesh=mesh,
        out_type=jax.ShapeDtypeStruct((B * N, C), jnp.float32),
        scratch_types=(
            [pltpu.VMEM((RCHUNK, CPW), jnp.float32)] * (2 * SLOTS)
            + [pltpu.SemaphoreType.DMA] * (2 * SLOTS)
        ),
    )
    def k(x_hbm, out_hbm, *bufs):
        ins = bufs[:SLOTS]
        outs = bufs[SLOTS:2 * SLOTS]
        sis = bufs[2 * SLOTS:3 * SLOTS]
        sos = bufs[3 * SLOTS:]
        wid = lax.axis_index("s") * 2 + lax.axis_index("c")

        def src(t):
            u = t // NCHUNK
            unit = wid * UPW + u
            b = unit // CB
            c0 = pl.multiple_of((unit % CB) * CPW, CPW)
            r0 = pl.multiple_of(b * N + (t % NCHUNK) * RCHUNK, RCHUNK)
            return (pl.ds(r0, RCHUNK), pl.ds(c0, CPW))

        for p in range(SLOTS):
            pltpu.async_copy(x_hbm.at[src(p)], ins[p], sis[p])

        def chunk(t, accs, slot):
            bi, bo = ins[slot], outs[slot]
            pltpu.make_async_copy(x_hbm.at[src(t)], bi, sis[slot]).wait()
            @pl.when(t >= SLOTS)
            def _():
                pltpu.make_async_copy(bo, out_hbm.at[src(t)], sos[slot]).wait()

            fresh = (t % NCHUNK) == 0
            accs = tuple(jnp.where(fresh, jnp.zeros((16,), jnp.float32), a)
                         for a in accs)

            def body(r, accs):
                new = []
                for g in range(LG):
                    v = bi[r, pl.ds(g * 16, 16)]
                    a = accs[g] + v
                    bo[r, pl.ds(g * 16, 16)] = a
                    new.append(a)
                return tuple(new)

            accs = lax.fori_loop(0, RCHUNK, body, accs)
            pltpu.async_copy(bo, out_hbm.at[src(t)], sos[slot])

            @pl.when(t + SLOTS < T)
            def _():
                pltpu.async_copy(x_hbm.at[src(t + SLOTS)], bi, sis[slot])

            return accs

        def group(j, accs):
            for s in range(SLOTS):
                accs = chunk(SLOTS * j + s, accs, s)
            return accs

        accs0 = tuple(jnp.zeros((16,), jnp.float32) for _ in range(LG))
        lax.fori_loop(0, T // SLOTS, group, accs0)

        for s in range(SLOTS):
            t = jnp.int32(T - SLOTS + s)
            pltpu.make_async_copy(outs[s], out_hbm.at[src(t)], sos[s]).wait()

    return k(x2)


def kernel(x):
    orig_dtype = x.dtype
    x2 = x.astype(jnp.float32).reshape(B * N, C)
    out = _sc_cumsum(x2)
    return out.reshape(B, N, C).astype(orig_dtype)

# --- scband reference (transcript-rebuilt; emitter-appended) ---
"""Pipeline reference for scband-model-new-23656679867334 (READ-ONLY COPY).

The authoritative reference and input builder live on the scoring server;
editing this copy changes nothing except your own understanding.
"""

import jax, jax.numpy as jnp
import numpy as np

DIM = 1

def setup_inputs(seed: int = 0) -> dict:
    key = jax.random.key(seed)
    x = jax.random.normal(key, (4, 4096, 2048), dtype=jnp.float32)
    return {"x": x}

def reference(x):
    # Faithful translation of the CUDA fused cumsum: inclusive prefix sum along `dim`,
    # computed in float32 and cast back to the input dtype.
    orig_dtype = x.dtype
    out = jnp.cumsum(x.astype(jnp.float32), axis=DIM)
    return out.astype(orig_dtype)

if __name__ == "__main__":
    import jax
    _d = setup_inputs()
    print(jax.jit(kernel)(*tuple(_d.values())))

</pallas_src>

<mosaic_0001>
#map = affine_map<(d0, d1) -> (0, 0)>
module attributes {stable_mosaic.version = 14 : i64} {
  func.func @k(%arg0: i32, %arg1: i32, %arg2: memref<16384x2048xf32, #tpu.memory_space<hbm>>, %arg3: memref<16384x2048xf32, #tpu.memory_space<hbm>>, %arg4: memref<64x256xf32, #tpu.memory_space<vmem>>, %arg5: memref<64x256xf32, #tpu.memory_space<vmem>>, %arg6: memref<64x256xf32, #tpu.memory_space<vmem>>, %arg7: memref<64x256xf32, #tpu.memory_space<vmem>>, %arg8: memref<!tpu.dma_semaphore, #tpu.memory_space<semaphore_mem>>, %arg9: memref<!tpu.dma_semaphore, #tpu.memory_space<semaphore_mem>>, %arg10: memref<!tpu.dma_semaphore, #tpu.memory_space<semaphore_mem>>, %arg11: memref<!tpu.dma_semaphore, #tpu.memory_space<semaphore_mem>>) attributes {dimension_semantics = [#tpu.dimension_semantics<core_parallel>, #tpu.dimension_semantics<subcore_parallel>], iteration_bounds = array<i64: 2, 16>, scalar_prefetch = 0 : i64, scratch_operands = 8 : i64, tpu.core_type = #tpu.core_type<sc_vector_subcore>, window_params = [{transform_indices = #map}, {transform_indices = #map}]} {
    %mul3A = arith.constant 2 : i32
    %mul3A_0 = arith.muli %arg1, %mul3A : i32
    %add3A = arith.addi %mul3A_0, %arg0 : i32
    %mul3A_1 = arith.constant 1 : i32
    %mul3A_2 = arith.muli %add3A, %mul3A_1 : i32
    %add3A_3 = arith.constant 0 : i32
    %add3A_4 = arith.addi %mul3A_2, %add3A_3 : i32
    %jit3A = arith.constant 8 : i32
    %div3A = arith.divsi %add3A_4, %jit3A : i32
    %sign3A = arith.constant 0 : i32
    %sign3A_5 = arith.cmpi sgt, %add3A_4, %sign3A : i32
    %sign3A_6 = arith.extui %sign3A_5 : i1 to i32
    %sign3A_7 = arith.constant 0 : i32
    %sign3A_8 = arith.cmpi slt, %add3A_4, %sign3A_7 : i32
    %sign3A_9 = arith.extui %sign3A_8 : i1 to i32
    %sign3A_10 = arith.subi %sign3A_6, %sign3A_9 : i32
    %sign3A_11 = arith.constant 0 : i32
    %sign3A_12 = arith.cmpi sgt, %jit3A, %sign3A_11 : i32
    %sign3A_13 = arith.extui %sign3A_12 : i1 to i32
    %sign3A_14 = arith.constant 0 : i32
    %sign3A_15 = arith.cmpi slt, %jit3A, %sign3A_14 : i32
    %sign3A_16 = arith.extui %sign3A_15 : i1 to i32
    %sign3A_17 = arith.subi %sign3A_13, %sign3A_16 : i32
    %ne3A = arith.cmpi ne, %sign3A_10, %sign3A_17 : i32
    %rem3A = arith.remsi %add3A_4, %jit3A : i32
    %ne3A_18 = arith.constant 0 : i32
    %ne3A_19 = arith.cmpi ne, %rem3A, %ne3A_18 : i32
    %and3A = arith.andi %ne3A, %ne3A_19 : i1
    %sub3A = arith.constant 1 : i32
    %sub3A_20 = arith.subi %div3A, %sub3A : i32
    %select_n3A = arith.select %and3A, %sub3A_20, %div3A : i32
    %jit3A_21 = arith.constant 8 : i32
    %eq3A = arith.constant 0 : i32
    %eq3A_22 = arith.cmpi eq, %jit3A_21, %eq3A : i32
    %jit3A_23 = arith.constant 1 : i32
    %select_n3A_24 = arith.select %eq3A_22, %jit3A_23, %jit3A_21 : i32
    %rem3A_25 = arith.remsi %add3A_4, %select_n3A_24 : i32
    %ne3A_26 = arith.constant 0 : i32
    %ne3A_27 = arith.cmpi ne, %rem3A_25, %ne3A_26 : i32
    %lt3A = arith.constant 0 : i32
    %lt3A_28 = arith.cmpi slt, %rem3A_25, %lt3A : i32
    %lt3A_29 = arith.constant 0 : i32
    %lt3A_30 = arith.cmpi slt, %select_n3A_24, %lt3A_29 : i32
    %ne3A_31 = arith.xori %lt3A_28, %lt3A_30 : i1
    %and3A_32 = arith.andi %ne3A_31, %ne3A_27 : i1
    %add3A_33 = arith.addi %rem3A_25, %select_n3A_24 : i32
    %select_n3A_34 = arith.select %and3A_32, %add3A_33, %rem3A_25 : i32
    %mul3A_35 = arith.constant 256 : i32
    %mul3A_36 = arith.muli %select_n3A_34, %mul3A_35 : i32
    %multiple_of3A = tpu.assume_multiple %mul3A_36, 256 : i32
    %mul3A_37 = arith.constant 4096 : i32
    %mul3A_38 = arith.muli %select_n3A, %mul3A_37 : i32
    %add3A_39 = arith.constant 0 : i32
    %add3A_40 = arith.addi %mul3A_38, %add3A_39 : i32
    %multiple_of3A_41 = tpu.assume_multiple %add3A_40, 64 : i32
    %dma_start3A = tpu.memref_slice %arg2[%multiple_of3A_41, %multiple_of3A] : memref<16384x2048xf32, #tpu.memory_space<hbm>> -> memref<64x256xf32, #tpu.memory_space<hbm>>
    %dma_start3A_42 = tpu.memref_slice %arg2[%multiple_of3A_41, %multiple_of3A] : memref<16384x2048xf32, #tpu.memory_space<hbm>> -> memref<64x256xf32, #tpu.memory_space<hbm>>
    tpu.enqueue_dma source(%dma_start3A_42 : memref<64x256xf32, #tpu.memory_space<hbm>>) target(%arg4 : memref<64x256xf32, #tpu.memory_space<vmem>>) target_semaphore(%arg8 : memref<!tpu.dma_semaphore, #tpu.memory_space<semaphore_mem>>)
    %mul3A_43 = arith.constant 1 : i32
    %mul3A_44 = arith.muli %add3A, %mul3A_43 : i32
    %add3A_45 = arith.constant 0 : i32
    %add3A_46 = arith.addi %mul3A_44, %add3A_45 : i32
    %jit3A_47 = arith.constant 8 : i32
    %div3A_48 = arith.divsi %add3A_46, %jit3A_47 : i32
    %sign3A_49 = arith.constant 0 : i32
    %sign3A_50 = arith.cmpi sgt, %add3A_46, %sign3A_49 : i32
    %sign3A_51 = arith.extui %sign3A_50 : i1 to i32
    %sign3A_52 = arith.constant 0 : i32
    %sign3A_53 = arith.cmpi slt, %add3A_46, %sign3A_52 : i32
    %sign3A_54 = arith.extui %sign3A_53 : i1 to i32
    %sign3A_55 = arith.subi %sign3A_51, %sign3A_54 : i32
    %sign3A_56 = arith.constant 0 : i32
    %sign3A_57 = arith.cmpi sgt, %jit3A_47, %sign3A_56 : i32
    %sign3A_58 = arith.extui %sign3A_57 : i1 to i32
    %sign3A_59 = arith.constant 0 : i32
    %sign3A_60 = arith.cmpi slt, %jit3A_47, %sign3A_59 : i32
    %sign3A_61 = arith.extui %sign3A_60 : i1 to i32
    %sign3A_62 = arith.subi %sign3A_58, %sign3A_61 : i32
    %ne3A_63 = arith.cmpi ne, %sign3A_55, %sign3A_62 : i32
    %rem3A_64 = arith.remsi %add3A_46, %jit3A_47 : i32
    %ne3A_65 = arith.constant 0 : i32
    %ne3A_66 = arith.cmpi ne, %rem3A_64, %ne3A_65 : i32
    %and3A_67 = arith.andi %ne3A_63, %ne3A_66 : i1
    %sub3A_68 = arith.constant 1 : i32
    %sub3A_69 = arith.subi %div3A_48, %sub3A_68 : i32
    %select_n3A_70 = arith.select %and3A_67, %sub3A_69, %div3A_48 : i32
    %jit3A_71 = arith.constant 8 : i32
    %eq3A_72 = arith.constant 0 : i32
    %eq3A_73 = arith.cmpi eq, %jit3A_71, %eq3A_72 : i32
    %jit3A_74 = arith.constant 1 : i32
    %select_n3A_75 = arith.select %eq3A_73, %jit3A_74, %jit3A_71 : i32
    %rem3A_76 = arith.remsi %add3A_46, %select_n3A_75 : i32
    %ne3A_77 = arith.constant 0 : i32
    %ne3A_78 = arith.cmpi ne, %rem3A_76, %ne3A_77 : i32
    %lt3A_79 = arith.constant 0 : i32
    %lt3A_80 = arith.cmpi slt, %rem3A_76, %lt3A_79 : i32
    %lt3A_81 = arith.constant 0 : i32
    %lt3A_82 = arith.cmpi slt, %select_n3A_75, %lt3A_81 : i32
    %ne3A_83 = arith.xori %lt3A_80, %lt3A_82 : i1
    %and3A_84 = arith.andi %ne3A_83, %ne3A_78 : i1
    %add3A_85 = arith.addi %rem3A_76, %select_n3A_75 : i32
    %select_n3A_86 = arith.select %and3A_84, %add3A_85, %rem3A_76 : i32
    %mul3A_87 = arith.constant 256 : i32
    %mul3A_88 = arith.muli %select_n3A_86, %mul3A_87 : i32
    %multiple_of3A_89 = tpu.assume_multiple %mul3A_88, 256 : i32
    %mul3A_90 = arith.constant 4096 : i32
    %mul3A_91 = arith.muli %select_n3A_70, %mul3A_90 : i32
    %add3A_92 = arith.constant 64 : i32
    %add3A_93 = arith.addi %mul3A_91, %add3A_92 : i32
    %multiple_of3A_94 = tpu.assume_multiple %add3A_93, 64 : i32
    %dma_start3A_95 = tpu.memref_slice %arg2[%multiple_of3A_94, %multiple_of3A_89] : memref<16384x2048xf32, #tpu.memory_space<hbm>> -> memref<64x256xf32, #tpu.memory_space<hbm>>
    %dma_start3A_96 = tpu.memref_slice %arg2[%multiple_of3A_94, %multiple_of3A_89] : memref<16384x2048xf32, #tpu.memory_space<hbm>> -> memref<64x256xf32, #tpu.memory_space<hbm>>
    tpu.enqueue_dma source(%dma_start3A_96 : memref<64x256xf32, #tpu.memory_space<hbm>>) target(%arg5 : memref<64x256xf32, #tpu.memory_space<vmem>>) target_semaphore(%arg9 : memref<!tpu.dma_semaphore, #tpu.memory_space<semaphore_mem>>)
    %broadcast_in_dim3A = arith.constant 0.000000e+00 : f32
    %broadcast_in_dim3A_97 = vector.broadcast %broadcast_in_dim3A : f32 to vector<16xf32>
    %broadcast_in_dim3A_98 = arith.constant 0.000000e+00 : f32
    %broadcast_in_dim3A_99 = vector.broadcast %broadcast_in_dim3A_98 : f32 to vector<16xf32>
    %broadcast_in_dim3A_100 = arith.constant 0.000000e+00 : f32
    %broadcast_in_dim3A_101 = vector.broadcast %broadcast_in_dim3A_100 : f32 to vector<16xf32>
    %broadcast_in_dim3A_102 = arith.constant 0.000000e+00 : f32
    %broadcast_in_dim3A_103 = vector.broadcast %broadcast_in_dim3A_102 : f32 to vector<16xf32>
    %broadcast_in_dim3A_104 = arith.constant 0.000000e+00 : f32
    %broadcast_in_dim3A_105 = vector.broadcast %broadcast_in_dim3A_104 : f32 to vector<16xf32>
    %broadcast_in_dim3A_106 = arith.constant 0.000000e+00 : f32
    %broadcast_in_dim3A_107 = vector.broadcast %broadcast_in_dim3A_106 : f32 to vector<16xf32>
    %broadcast_in_dim3A_108 = arith.constant 0.000000e+00 : f32
    %broadcast_in_dim3A_109 = vector.broadcast %broadcast_in_dim3A_108 : f32 to vector<16xf32>
    %broadcast_in_dim3A_110 = arith.constant 0.000000e+00 : f32
    %broadcast_in_dim3A_111 = vector.broadcast %broadcast_in_dim3A_110 : f32 to vector<16xf32>
    %broadcast_in_dim3A_112 = arith.constant 0.000000e+00 : f32
    %broadcast_in_dim3A_113 = vector.broadcast %broadcast_in_dim3A_112 : f32 to vector<16xf32>
    %broadcast_in_dim3A_114 = arith.constant 0.000000e+00 : f32
    %broadcast_in_dim3A_115 = vector.broadcast %broadcast_in_dim3A_114 : f32 to vector<16xf32>
    %broadcast_in_dim3A_116 = arith.constant 0.000000e+00 : f32
    %broadcast_in_dim3A_117 = vector.broadcast %broadcast_in_dim3A_116 : f32 to vector<16xf32>
    %broadcast_in_dim3A_118 = arith.constant 0.000000e+00 : f32
    %broadcast_in_dim3A_119 = vector.broadcast %broadcast_in_dim3A_118 : f32 to vector<16xf32>
    %broadcast_in_dim3A_120 = arith.constant 0.000000e+00 : f32
    %broadcast_in_dim3A_121 = vector.broadcast %broadcast_in_dim3A_120 : f32 to vector<16xf32>
    %broadcast_in_dim3A_122 = arith.constant 0.000000e+00 : f32
    %broadcast_in_dim3A_123 = vector.broadcast %broadcast_in_dim3A_122 : f32 to vector<16xf32>
    %broadcast_in_dim3A_124 = arith.constant 0.000000e+00 : f32
    %broadcast_in_dim3A_125 = vector.broadcast %broadcast_in_dim3A_124 : f32 to vector<16xf32>
    %broadcast_in_dim3A_126 = arith.constant 0.000000e+00 : f32
    %broadcast_in_dim3A_127 = vector.broadcast %broadcast_in_dim3A_126 : f32 to vector<16xf32>
    %scan3A = arith.constant 0 : i32
    %scan3A_128 = arith.constant 32 : i32
    %scan3A_129 = arith.addi %scan3A, %scan3A_128 : i32
    %scan3A_130 = arith.constant 1 : i32
    %scan3A_131:16 = scf.for %scan3A_324 = %scan3A to %scan3A_129 step %scan3A_130 iter_args(%scan3A_325 = %broadcast_in_dim3A_97, %scan3A_326 = %broadcast_in_dim3A_99, %scan3A_327 = %broadcast_in_dim3A_101, %scan3A_328 = %broadcast_in_dim3A_103, %scan3A_329 = %broadcast_in_dim3A_105, %scan3A_330 = %broadcast_in_dim3A_107, %scan3A_331 = %broadcast_in_dim3A_109, %scan3A_332 = %broadcast_in_dim3A_111, %scan3A_333 = %broadcast_in_dim3A_113, %scan3A_334 = %broadcast_in_dim3A_115, %scan3A_335 = %broadcast_in_dim3A_117, %scan3A_336 = %broadcast_in_dim3A_119, %scan3A_337 = %broadcast_in_dim3A_121, %scan3A_338 = %broadcast_in_dim3A_123, %scan3A_339 = %broadcast_in_dim3A_125, %scan3A_340 = %broadcast_in_dim3A_127) -> (vector<16xf32>, vector<16xf32>, vector<16xf32>, vector<16xf32>, vector<16xf32>, vector<16xf32>, vector<16xf32>, vector<16xf32>, vector<16xf32>, vector<16xf32>, vector<16xf32>, vector<16xf32>, vector<16xf32>, vector<16xf32>, vector<16xf32>, vector<16xf32>)  : i32 {
      %mul3A_341 = arith.constant 2 : i32
      %mul3A_342 = arith.muli %mul3A_341, %scan3A_324 : i32
      %add3A_343 = arith.constant 0 : i32
      %add3A_344 = arith.addi %mul3A_342, %add3A_343 : i32
      %jit3A_345 = arith.constant 64 : i32
      %div3A_346 = arith.divsi %add3A_344, %jit3A_345 : i32
      %sign3A_347 = arith.constant 0 : i32
      %sign3A_348 = arith.cmpi sgt, %add3A_344, %sign3A_347 : i32
      %sign3A_349 = arith.extui %sign3A_348 : i1 to i32
      %sign3A_350 = arith.constant 0 : i32
      %sign3A_351 = arith.cmpi slt, %add3A_344, %sign3A_350 : i32
      %sign3A_352 = arith.extui %sign3A_351 : i1 to i32
      %sign3A_353 = arith.subi %sign3A_349, %sign3A_352 : i32
      %sign3A_354 = arith.constant 0 : i32
      %sign3A_355 = arith.cmpi sgt, %jit3A_345, %sign3A_354 : i32
      %sign3A_356 = arith.extui %sign3A_355 : i1 to i32
      %sign3A_357 = arith.constant 0 : i32
      %sign3A_358 = arith.cmpi slt, %jit3A_345, %sign3A_357 : i32
      %sign3A_359 = arith.extui %sign3A_358 : i1 to i32
      %sign3A_360 = arith.subi %sign3A_356, %sign3A_359 : i32
      %ne3A_361 = arith.cmpi ne, %sign3A_353, %sign3A_360 : i32
      %rem3A_362 = arith.remsi %add3A_344, %jit3A_345 : i32
      %ne3A_363 = arith.constant 0 : i32
      %ne3A_364 = arith.cmpi ne, %rem3A_362, %ne3A_363 : i32
      %and3A_365 = arith.andi %ne3A_361, %ne3A_364 : i1
      %sub3A_366 = arith.constant 1 : i32
      %sub3A_367 = arith.subi %div3A_346, %sub3A_366 : i32
      %select_n3A_368 = arith.select %and3A_365, %sub3A_367, %div3A_346 : i32
      %mul3A_369 = arith.constant 1 : i32
      %mul3A_370 = arith.muli %add3A, %mul3A_369 : i32
      %add3A_371 = arith.addi %mul3A_370, %select_n3A_368 : i32
      %jit3A_372 = arith.constant 8 : i32
      %div3A_373 = arith.divsi %add3A_371, %jit3A_372 : i32
      %sign3A_374 = arith.constant 0 : i32
      %sign3A_375 = arith.cmpi sgt, %add3A_371, %sign3A_374 : i32
      %sign3A_376 = arith.extui %sign3A_375 : i1 to i32
      %sign3A_377 = arith.constant 0 : i32
      %sign3A_378 = arith.cmpi slt, %add3A_371, %sign3A_377 : i32
      %sign3A_379 = arith.extui %sign3A_378 : i1 to i32
      %sign3A_380 = arith.subi %sign3A_376, %sign3A_379 : i32
      %sign3A_381 = arith.constant 0 : i32
      %sign3A_382 = arith.cmpi sgt, %jit3A_372, %sign3A_381 : i32
      %sign3A_383 = arith.extui %sign3A_382 : i1 to i32
      %sign3A_384 = arith.constant 0 : i32
      %sign3A_385 = arith.cmpi slt, %jit3A_372, %sign3A_384 : i32
      %sign3A_386 = arith.extui %sign3A_385 : i1 to i32
      %sign3A_387 = arith.subi %sign3A_383, %sign3A_386 : i32
      %ne3A_388 = arith.cmpi ne, %sign3A_380, %sign3A_387 : i32
      %rem3A_389 = arith.remsi %add3A_371, %jit3A_372 : i32
      %ne3A_390 = arith.constant 0 : i32
      %ne3A_391 = arith.cmpi ne, %rem3A_389, %ne3A_390 : i32
      %and3A_392 = arith.andi %ne3A_388, %ne3A_391 : i1
      %sub3A_393 = arith.constant 1 : i32
      %sub3A_394 = arith.subi %div3A_373, %sub3A_393 : i32
      %select_n3A_395 = arith.select %and3A_392, %sub3A_394, %div3A_373 : i32
      %jit3A_396 = arith.constant 8 : i32
      %eq3A_397 = arith.constant 0 : i32
      %eq3A_398 = arith.cmpi eq, %jit3A_396, %eq3A_397 : i32
      %jit3A_399 = arith.constant 1 : i32
      %select_n3A_400 = arith.select %eq3A_398, %jit3A_399, %jit3A_396 : i32
      %rem3A_401 = arith.remsi %add3A_371, %select_n3A_400 : i32
      %ne3A_402 = arith.constant 0 : i32
      %ne3A_403 = arith.cmpi ne, %rem3A_401, %ne3A_402 : i32
      %lt3A_404 = arith.constant 0 : i32
      %lt3A_405 = arith.cmpi slt, %rem3A_401, %lt3A_404 : i32
      %lt3A_406 = arith.constant 0 : i32
      %lt3A_407 = arith.cmpi slt, %select_n3A_400, %lt3A_406 : i32
      %ne3A_408 = arith.xori %lt3A_405, %lt3A_407 : i1
      %and3A_409 = arith.andi %ne3A_408, %ne3A_403 : i1
      %add3A_410 = arith.addi %rem3A_401, %select_n3A_400 : i32
      %select_n3A_411 = arith.select %and3A_409, %add3A_410, %rem3A_401 : i32
      %mul3A_412 = arith.constant 256 : i32
      %mul3A_413 = arith.muli %select_n3A_411, %mul3A_412 : i32
      %multiple_of3A_414 = tpu.assume_multiple %mul3A_413, 256 : i32
      %mul3A_415 = arith.constant 4096 : i32
      %mul3A_416 = arith.muli %select_n3A_395, %mul3A_415 : i32
      %jit3A_417 = arith.constant 64 : i32
      %eq3A_418 = arith.constant 0 : i32
      %eq3A_419 = arith.cmpi eq, %jit3A_417, %eq3A_418 : i32
      %jit3A_420 = arith.constant 1 : i32
      %select_n3A_421 = arith.select %eq3A_419, %jit3A_420, %jit3A_417 : i32
      %rem3A_422 = arith.remsi %add3A_344, %select_n3A_421 : i32
      %ne3A_423 = arith.constant 0 : i32
      %ne3A_424 = arith.cmpi ne, %rem3A_422, %ne3A_423 : i32
      %lt3A_425 = arith.constant 0 : i32
      %lt3A_426 = arith.cmpi slt, %rem3A_422, %lt3A_425 : i32
      %lt3A_427 = arith.constant 0 : i32
      %lt3A_428 = arith.cmpi slt, %select_n3A_421, %lt3A_427 : i32
      %ne3A_429 = arith.xori %lt3A_426, %lt3A_428 : i1
      %and3A_430 = arith.andi %ne3A_429, %ne3A_424 : i1
      %add3A_431 = arith.addi %rem3A_422, %select_n3A_421 : i32
      %select_n3A_432 = arith.select %and3A_430, %add3A_431, %rem3A_422 : i32
      %mul3A_433 = arith.constant 64 : i32
      %mul3A_434 = arith.muli %select_n3A_432, %mul3A_433 : i32
      %add3A_435 = arith.addi %mul3A_416, %mul3A_434 : i32
      %multiple_of3A_436 = tpu.assume_multiple %add3A_435, 64 : i32
      %dma_wait3A_437 = tpu.memref_slice %arg2[%multiple_of3A_436, %multiple_of3A_414] : memref<16384x2048xf32, #tpu.memory_space<hbm>> -> memref<64x256xf32, #tpu.memory_space<hbm>>
      %dma_wait3A_438 = tpu.memref_slice %arg2[%multiple_of3A_436, %multiple_of3A_414] : memref<16384x2048xf32, #tpu.memory_space<hbm>> -> memref<64x256xf32, #tpu.memory_space<hbm>>
      tpu.wait_dma2 semaphore(%arg8 : memref<!tpu.dma_semaphore, #tpu.memory_space<semaphore_mem>>) src(%dma_wait3A_438 : memref<64x256xf32, #tpu.memory_space<hbm>>) dst(%arg4 : memref<64x256xf32, #tpu.memory_space<vmem>>)
      %ge3A = arith.constant 2 : i32
      %ge3A_439 = arith.cmpi sge, %add3A_344, %ge3A : i32
      %convert_element_type3A = arith.extui %ge3A_439 : i1 to i32
      %cond3A = arith.constant 0 : i32
      %cond3A_440 = arith.cmpi ne, %convert_element_type3A, %cond3A : i32
      scf.if %cond3A_440 {
        %jit3A_890 = arith.constant 64 : i32
        %div3A_891 = arith.divsi %add3A_344, %jit3A_890 : i32
        %sign3A_892 = arith.constant 0 : i32
        %sign3A_893 = arith.cmpi sgt, %add3A_344, %sign3A_892 : i32
        %sign3A_894 = arith.extui %sign3A_893 : i1 to i32
        %sign3A_895 = arith.constant 0 : i32
        %sign3A_896 = arith.cmpi slt, %add3A_344, %sign3A_895 : i32
        %sign3A_897 = arith.extui %sign3A_896 : i1 to i32
        %sign3A_898 = arith.subi %sign3A_894, %sign3A_897 : i32
        %sign3A_899 = arith.constant 0 : i32
        %sign3A_900 = arith.cmpi sgt, %jit3A_890, %sign3A_899 : i32
        %sign3A_901 = arith.extui %sign3A_900 : i1 to i32
        %sign3A_902 = arith.constant 0 : i32
        %sign3A_903 = arith.cmpi slt, %jit3A_890, %sign3A_902 : i32
        %sign3A_904 = arith.extui %sign3A_903 : i1 to i32
        %sign3A_905 = arith.subi %sign3A_901, %sign3A_904 : i32
        %ne3A_906 = arith.cmpi ne, %sign3A_898, %sign3A_905 : i32
        %rem3A_907 = arith.remsi %add3A_344, %jit3A_890 : i32
        %ne3A_908 = arith.constant 0 : i32
        %ne3A_909 = arith.cmpi ne, %rem3A_907, %ne3A_908 : i32
        %and3A_910 = arith.andi %ne3A_906, %ne3A_909 : i1
        %sub3A_911 = arith.constant 1 : i32
        %sub3A_912 = arith.subi %div3A_891, %sub3A_911 : i32
        %select_n3A_913 = arith.select %and3A_910, %sub3A_912, %div3A_891 : i32
        %mul3A_914 = arith.constant 1 : i32
        %mul3A_915 = arith.muli %add3A, %mul3A_914 : i32
        %add3A_916 = arith.addi %mul3A_915, %select_n3A_913 : i32
        %jit3A_917 = arith.constant 8 : i32
        %div3A_918 = arith.divsi %add3A_916, %jit3A_917 : i32
        %sign3A_919 = arith.constant 0 : i32
        %sign3A_920 = arith.cmpi sgt, %add3A_916, %sign3A_919 : i32
        %sign3A_921 = arith.extui %sign3A_920 : i1 to i32
        %sign3A_922 = arith.constant 0 : i32
        %sign3A_923 = arith.cmpi slt, %add3A_916, %sign3A_922 : i32
        %sign3A_924 = arith.extui %sign3A_923 : i1 to i32
        %sign3A_925 = arith.subi %sign3A_921, %sign3A_924 : i32
        %sign3A_926 = arith.constant 0 : i32
        %sign3A_927 = arith.cmpi sgt, %jit3A_917, %sign3A_926 : i32
        %sign3A_928 = arith.extui %sign3A_927 : i1 to i32
        %sign3A_929 = arith.constant 0 : i32
        %sign3A_930 = arith.cmpi slt, %jit3A_917, %sign3A_929 : i32
        %sign3A_931 = arith.extui %sign3A_930 : i1 to i32
        %sign3A_932 = arith.subi %sign3A_928, %sign3A_931 : i32
        %ne3A_933 = arith.cmpi ne, %sign3A_925, %sign3A_932 : i32
        %rem3A_934 = arith.remsi %add3A_916, %jit3A_917 : i32
        %ne3A_935 = arith.constant 0 : i32
        %ne3A_936 = arith.cmpi ne, %rem3A_934, %ne3A_935 : i32
        %and3A_937 = arith.andi %ne3A_933, %ne3A_936 : i1
        %sub3A_938 = arith.constant 1 : i32
        %sub3A_939 = arith.subi %div3A_918, %sub3A_938 : i32
        %select_n3A_940 = arith.select %and3A_937, %sub3A_939, %div3A_918 : i32
        %jit3A_941 = arith.constant 8 : i32
        %eq3A_942 = arith.constant 0 : i32
        %eq3A_943 = arith.cmpi eq, %jit3A_941, %eq3A_942 : i32
        %jit3A_944 = arith.constant 1 : i32
        %select_n3A_945 = arith.select %eq3A_943, %jit3A_944, %jit3A_941 : i32
        %rem3A_946 = arith.remsi %add3A_916, %select_n3A_945 : i32
        %ne3A_947 = arith.constant 0 : i32
        %ne3A_948 = arith.cmpi ne, %rem3A_946, %ne3A_947 : i32
        %lt3A_949 = arith.constant 0 : i32
        %lt3A_950 = arith.cmpi slt, %rem3A_946, %lt3A_949 : i32
        %lt3A_951 = arith.constant 0 : i32
        %lt3A_952 = arith.cmpi slt, %select_n3A_945, %lt3A_951 : i32
        %ne3A_953 = arith.xori %lt3A_950, %lt3A_952 : i1
        %and3A_954 = arith.andi %ne3A_953, %ne3A_948 : i1
        %add3A_955 = arith.addi %rem3A_946, %select_n3A_945 : i32
        %select_n3A_956 = arith.select %and3A_954, %add3A_955, %rem3A_946 : i32
        %mul3A_957 = arith.constant 256 : i32
        %mul3A_958 = arith.muli %select_n3A_956, %mul3A_957 : i32
        %multiple_of3A_959 = tpu.assume_multiple %mul3A_958, 256 : i32
        %mul3A_960 = arith.constant 4096 : i32
        %mul3A_961 = arith.muli %select_n3A_940, %mul3A_960 : i32
        %jit3A_962 = arith.constant 64 : i32
        %eq3A_963 = arith.constant 0 : i32
        %eq3A_964 = arith.cmpi eq, %jit3A_962, %eq3A_963 : i32
        %jit3A_965 = arith.constant 1 : i32
        %select_n3A_966 = arith.select %eq3A_964, %jit3A_965, %jit3A_962 : i32
        %rem3A_967 = arith.remsi %add3A_344, %select_n3A_966 : i32
        %ne3A_968 = arith.constant 0 : i32
        %ne3A_969 = arith.cmpi ne, %rem3A_967, %ne3A_968 : i32
        %lt3A_970 = arith.constant 0 : i32
        %lt3A_971 = arith.cmpi slt, %rem3A_967, %lt3A_970 : i32
        %lt3A_972 = arith.constant 0 : i32
        %lt3A_973 = arith.cmpi slt, %select_n3A_966, %lt3A_972 : i32
        %ne3A_974 = arith.xori %lt3A_971, %lt3A_973 : i1
        %and3A_975 = arith.andi %ne3A_974, %ne3A_969 : i1
        %add3A_976 = arith.addi %rem3A_967, %select_n3A_966 : i32
        %select_n3A_977 = arith.select %and3A_975, %add3A_976, %rem3A_967 : i32
        %mul3A_978 = arith.constant 64 : i32
        %mul3A_979 = arith.muli %select_n3A_977, %mul3A_978 : i32
        %add3A_980 = arith.addi %mul3A_961, %mul3A_979 : i32
        %multiple_of3A_981 = tpu.assume_multiple %add3A_980, 64 : i32
        %dma_wait3A_982 = tpu.memref_slice %arg3[%multiple_of3A_981, %multiple_of3A_959] : memref<16384x2048xf32, #tpu.memory_space<hbm>> -> memref<64x256xf32, #tpu.memory_space<hbm>>
        %dma_wait3A_983 = tpu.memref_slice %arg3[%multiple_of3A_981, %multiple_of3A_959] : memref<16384x2048xf32, #tpu.memory_space<hbm>> -> memref<64x256xf32, #tpu.memory_space<hbm>>
        tpu.wait_dma2 semaphore(%arg10 : memref<!tpu.dma_semaphore, #tpu.memory_space<semaphore_mem>>) src(%arg6 : memref<64x256xf32, #tpu.memory_space<vmem>>) dst(%dma_wait3A_983 : memref<64x256xf32, #tpu.memory_space<hbm>>)
      } else {
      }
      %jit3A_441 = arith.constant 64 : i32
      %eq3A_442 = arith.constant 0 : i32
      %eq3A_443 = arith.cmpi eq, %jit3A_441, %eq3A_442 : i32
      %jit3A_444 = arith.constant 1 : i32
      %select_n3A_445 = arith.select %eq3A_443, %jit3A_444, %jit3A_441 : i32
      %rem3A_446 = arith.remsi %add3A_344, %select_n3A_445 : i32
      %ne3A_447 = arith.constant 0 : i32
      %ne3A_448 = arith.cmpi ne, %rem3A_446, %ne3A_447 : i32
      %lt3A_449 = arith.constant 0 : i32
      %lt3A_450 = arith.cmpi slt, %rem3A_446, %lt3A_449 : i32
      %lt3A_451 = arith.constant 0 : i32
      %lt3A_452 = arith.cmpi slt, %select_n3A_445, %lt3A_451 : i32
      %ne3A_453 = arith.xori %lt3A_450, %lt3A_452 : i1
      %and3A_454 = arith.andi %ne3A_453, %ne3A_448 : i1
      %add3A_455 = arith.addi %rem3A_446, %select_n3A_445 : i32
      %select_n3A_456 = arith.select %and3A_454, %add3A_455, %rem3A_446 : i32
      %eq3A_457 = arith.constant 0 : i32
      %eq3A_458 = arith.cmpi eq, %select_n3A_456, %eq3A_457 : i32
      %broadcast_in_dim3A_459 = arith.constant 0.000000e+00 : f32
      %broadcast_in_dim3A_460 = vector.broadcast %broadcast_in_dim3A_459 : f32 to vector<16xf32>
      %select_n3A_461 = arith.select %eq3A_458, %broadcast_in_dim3A_460, %scan3A_325 : vector<16xf32>
      %broadcast_in_dim3A_462 = arith.constant 0.000000e+00 : f32
      %broadcast_in_dim3A_463 = vector.broadcast %broadcast_in_dim3A_462 : f32 to vector<16xf32>
      %select_n3A_464 = arith.select %eq3A_458, %broadcast_in_dim3A_463, %scan3A_326 : vector<16xf32>
      %broadcast_in_dim3A_465 = arith.constant 0.000000e+00 : f32
      %broadcast_in_dim3A_466 = vector.broadcast %broadcast_in_dim3A_465 : f32 to vector<16xf32>
      %select_n3A_467 = arith.select %eq3A_458, %broadcast_in_dim3A_466, %scan3A_327 : vector<16xf32>
      %broadcast_in_dim3A_468 = arith.constant 0.000000e+00 : f32
      %broadcast_in_dim3A_469 = vector.broadcast %broadcast_in_dim3A_468 : f32 to vector<16xf32>
      %select_n3A_470 = arith.select %eq3A_458, %broadcast_in_dim3A_469, %scan3A_328 : vector<16xf32>
      %broadcast_in_dim3A_471 = arith.constant 0.000000e+00 : f32
      %broadcast_in_dim3A_472 = vector.broadcast %broadcast_in_dim3A_471 : f32 to vector<16xf32>
      %select_n3A_473 = arith.select %eq3A_458, %broadcast_in_dim3A_472, %scan3A_329 : vector<16xf32>
      %broadcast_in_dim3A_474 = arith.constant 0.000000e+00 : f32
      %broadcast_in_dim3A_475 = vector.broadcast %broadcast_in_dim3A_474 : f32 to vector<16xf32>
      %select_n3A_476 = arith.select %eq3A_458, %broadcast_in_dim3A_475, %scan3A_330 : vector<16xf32>
      %broadcast_in_dim3A_477 = arith.constant 0.000000e+00 : f32
      %broadcast_in_dim3A_478 = vector.broadcast %broadcast_in_dim3A_477 : f32 to vector<16xf32>
      %select_n3A_479 = arith.select %eq3A_458, %broadcast_in_dim3A_478, %scan3A_331 : vector<16xf32>
      %broadcast_in_dim3A_480 = arith.constant 0.000000e+00 : f32
      %broadcast_in_dim3A_481 = vector.broadcast %broadcast_in_dim3A_480 : f32 to vector<16xf32>
      %select_n3A_482 = arith.select %eq3A_458, %broadcast_in_dim3A_481, %scan3A_332 : vector<16xf32>
      %broadcast_in_dim3A_483 = arith.constant 0.000000e+00 : f32
      %broadcast_in_dim3A_484 = vector.broadcast %broadcast_in_dim3A_483 : f32 to vector<16xf32>
      %select_n3A_485 = arith.select %eq3A_458, %broadcast_in_dim3A_484, %scan3A_333 : vector<16xf32>
      %broadcast_in_dim3A_486 = arith.constant 0.000000e+00 : f32
      %broadcast_in_dim3A_487 = vector.broadcast %broadcast_in_dim3A_486 : f32 to vector<16xf32>
      %select_n3A_488 = arith.select %eq3A_458, %broadcast_in_dim3A_487, %scan3A_334 : vector<16xf32>
      %broadcast_in_dim3A_489 = arith.constant 0.000000e+00 : f32
      %broadcast_in_dim3A_490 = vector.broadcast %broadcast_in_dim3A_489 : f32 to vector<16xf32>
      %select_n3A_491 = arith.select %eq3A_458, %broadcast_in_dim3A_490, %scan3A_335 : vector<16xf32>
      %broadcast_in_dim3A_492 = arith.constant 0.000000e+00 : f32
      %broadcast_in_dim3A_493 = vector.broadcast %broadcast_in_dim3A_492 : f32 to vector<16xf32>
      %select_n3A_494 = arith.select %eq3A_458, %broadcast_in_dim3A_493, %scan3A_336 : vector<16xf32>
      %broadcast_in_dim3A_495 = arith.constant 0.000000e+00 : f32
      %broadcast_in_dim3A_496 = vector.broadcast %broadcast_in_dim3A_495 : f32 to vector<16xf32>
      %select_n3A_497 = arith.select %eq3A_458, %broadcast_in_dim3A_496, %scan3A_337 : vector<16xf32>
      %broadcast_in_dim3A_498 = arith.constant 0.000000e+00 : f32
      %broadcast_in_dim3A_499 = vector.broadcast %broadcast_in_dim3A_498 : f32 to vector<16xf32>
      %select_n3A_500 = arith.select %eq3A_458, %broadcast_in_dim3A_499, %scan3A_338 : vector<16xf32>
      %broadcast_in_dim3A_501 = arith.constant 0.000000e+00 : f32
      %broadcast_in_dim3A_502 = vector.broadcast %broadcast_in_dim3A_501 : f32 to vector<16xf32>
      %select_n3A_503 = arith.select %eq3A_458, %broadcast_in_dim3A_502, %scan3A_339 : vector<16xf32>
      %broadcast_in_dim3A_504 = arith.constant 0.000000e+00 : f32
      %broadcast_in_dim3A_505 = vector.broadcast %broadcast_in_dim3A_504 : f32 to vector<16xf32>
      %select_n3A_506 = arith.select %eq3A_458, %broadcast_in_dim3A_505, %scan3A_340 : vector<16xf32>
      %scan3A_507 = arith.constant 0 : i32
      %scan3A_508 = arith.constant 64 : i32
      %scan3A_509 = arith.addi %scan3A_507, %scan3A_508 : i32
      %scan3A_510 = arith.constant 1 : i32
      %scan3A_511:16 = scf.for %scan3A_890 = %scan3A_507 to %scan3A_509 step %scan3A_510 iter_args(%scan3A_891 = %select_n3A_461, %scan3A_892 = %select_n3A_464, %scan3A_893 = %select_n3A_467, %scan3A_894 = %select_n3A_470, %scan3A_895 = %select_n3A_473, %scan3A_896 = %select_n3A_476, %scan3A_897 = %select_n3A_479, %scan3A_898 = %select_n3A_482, %scan3A_899 = %select_n3A_485, %scan3A_900 = %select_n3A_488, %scan3A_901 = %select_n3A_491, %scan3A_902 = %select_n3A_494, %scan3A_903 = %select_n3A_497, %scan3A_904 = %select_n3A_500, %scan3A_905 = %select_n3A_503, %scan3A_906 = %select_n3A_506) -> (vector<16xf32>, vector<16xf32>, vector<16xf32>, vector<16xf32>, vector<16xf32>, vector<16xf32>, vector<16xf32>, vector<16xf32>, vector<16xf32>, vector<16xf32>, vector<16xf32>, vector<16xf32>, vector<16xf32>, vector<16xf32>, vector<16xf32>, vector<16xf32>)  : i32 {
        %get3A = arith.index_cast %scan3A_890 : i32 to index
        %get3A_907 = arith.constant 0 : index
        %get3A_908 = tpu.vector_load %arg4[%get3A, %get3A_907] {strides = array<i32>} : memref<64x256xf32, #tpu.memory_space<vmem>>, vector<1x16xf32>,
        %get3A_909 = vector.shape_cast %get3A_908 : vector<1x16xf32> to vector<16xf32>
        %add3A_910 = arith.addf %scan3A_891, %get3A_909 : vector<16xf32>
        %swap3A = arith.index_cast %scan3A_890 : i32 to index
        %swap3A_911 = arith.constant 0 : index
        %swap3A_912 = tpu.vector_load %arg6[%swap3A, %swap3A_911] {strides = array<i32>} : memref<64x256xf32, #tpu.memory_space<vmem>>, vector<1x16xf32>,
        %swap3A_913 = vector.shape_cast %swap3A_912 : vector<1x16xf32> to vector<16xf32>
        %swap3A_914 = vector.shape_cast %add3A_910 : vector<16xf32> to vector<1x16xf32>
        tpu.vector_store %arg6[%swap3A, %swap3A_911], %swap3A_914 {strides = array<i32>} : memref<64x256xf32, #tpu.memory_space<vmem>>, vector<1x16xf32>,
        %get3A_915 = arith.index_cast %scan3A_890 : i32 to index
        %get3A_916 = arith.constant 16 : index
        %get3A_917 = tpu.vector_load %arg4[%get3A_915, %get3A_916] {strides = array<i32>} : memref<64x256xf32, #tpu.memory_space<vmem>>, vector<1x16xf32>,
        %get3A_918 = vector.shape_cast %get3A_917 : vector<1x16xf32> to vector<16xf32>
        %add3A_919 = arith.addf %scan3A_892, %get3A_918 : vector<16xf32>
        %swap3A_920 = arith.index_cast %scan3A_890 : i32 to index
        %swap3A_921 = arith.constant 16 : index
        %swap3A_922 = tpu.vector_load %arg6[%swap3A_920, %swap3A_921] {strides = array<i32>} : memref<64x256xf32, #tpu.memory_space<vmem>>, vector<1x16xf32>,
        %swap3A_923 = vector.shape_cast %swap3A_922 : vector<1x16xf32> to vector<16xf32>
        %swap3A_924 = vector.shape_cast %add3A_919 : vector<16xf32> to vector<1x16xf32>
        tpu.vector_store %arg6[%swap3A_920, %swap3A_921], %swap3A_924 {strides = array<i32>} : memref<64x256xf32, #tpu.memory_space<vmem>>, vector<1x16xf32>,
        %get3A_925 = arith.index_cast %scan3A_890 : i32 to index
        %get3A_926 = arith.constant 32 : index
        %get3A_927 = tpu.vector_load %arg4[%get3A_925, %get3A_926] {strides = array<i32>} : memref<64x256xf32, #tpu.memory_space<vmem>>, vector<1x16xf32>,
        %get3A_928 = vector.shape_cast %get3A_927 : vector<1x16xf32> to vector<16xf32>
        %add3A_929 = arith.addf %scan3A_893, %get3A_928 : vector<16xf32>
        %swap3A_930 = arith.index_cast %scan3A_890 : i32 to index
        %swap3A_931 = arith.constant 32 : index
        %swap3A_932 = tpu.vector_load %arg6[%swap3A_930, %swap3A_931] {strides = array<i32>} : memref<64x256xf32, #tpu.memory_space<vmem>>, vector<1x16xf32>,
        %swap3A_933 = vector.shape_cast %swap3A_932 : vector<1x16xf32> to vector<16xf32>
        %swap3A_934 = vector.shape_cast %add3A_929 : vector<16xf32> to vector<1x16xf32>
        tpu.vector_store %arg6[%swap3A_930, %swap3A_931], %swap3A_934 {strides = array<i32>} : memref<64x256xf32, #tpu.memory_space<vmem>>, vector<1x16xf32>,
        %get3A_935 = arith.index_cast %scan3A_890 : i32 to index
        %get3A_936 = arith.constant 48 : index
        %get3A_937 = tpu.vector_load %arg4[%get3A_935, %get3A_936] {strides = array<i32>} : memref<64x256xf32, #tpu.memory_space<vmem>>, vector<1x16xf32>,
        %get3A_938 = vector.shape_cast %get3A_937 : vector<1x16xf32> to vector<16xf32>
        %add3A_939 = arith.addf %scan3A_894, %get3A_938 : vector<16xf32>
        %swap3A_940 = arith.index_cast %scan3A_890 : i32 to index
        %swap3A_941 = arith.constant 48 : index
        %swap3A_942 = tpu.vector_load %arg6[%swap3A_940, %swap3A_941] {strides = array<i32>} : memref<64x256xf32, #tpu.memory_space<vmem>>, vector<1x16xf32>,
        %swap3A_943 = vector.shape_cast %swap3A_942 : vector<1x16xf32> to vector<16xf32>
        %swap3A_944 = vector.shape_cast %add3A_939 : vector<16xf32> to vector<1x16xf32>
        tpu.vector_store %arg6[%swap3A_940, %swap3A_941], %swap3A_944 {strides = array<i32>} : memref<64x256xf32, #tpu.memory_space<vmem>>, vector<1x16xf32>,
        %get3A_945 = arith.index_cast %scan3A_890 : i32 to index
        %get3A_946 = arith.constant 64 : index
        %get3A_947 = tpu.vector_load %arg4[%get3A_945, %get3A_946] {strides = array<i32>} : memref<64x256xf32, #tpu.memory_space<vmem>>, vector<1x16xf32>,
        %get3A_948 = vector.shape_cast %get3A_947 : vector<1x16xf32> to vector<16xf32>
        %add3A_949 = arith.addf %scan3A_895, %get3A_948 : vector<16xf32>
        %swap3A_950 = arith.index_cast %scan3A_890 : i32 to index
        %swap3A_951 = arith.constant 64 : index
        %swap3A_952 = tpu.vector_load %arg6[%swap3A_950, %swap3A_951] {strides = array<i32>} : memref<64x256xf32, #tpu.memory_space<vmem>>, vector<1x16xf32>,
        %swap3A_953 = vector.shape_cast %swap3A_952 : vector<1x16xf32> to vector<16xf32>
        %swap3A_954 = vector.shape_cast %add3A_949 : vector<16xf32> to vector<1x16xf32>
        tpu.vector_store %arg6[%swap3A_950, %swap3A_951], %swap3A_954 {strides = array<i32>} : memref<64x256xf32, #tpu.memory_space<vmem>>, vector<1x16xf32>,
        %get3A_955 = arith.index_cast %scan3A_890 : i32 to index
        %get3A_956 = arith.constant 80 : index
        %get3A_957 = tpu.vector_load %arg4[%get3A_955, %get3A_956] {strides = array<i32>} : memref<64x256xf32, #tpu.memory_space<vmem>>, vector<1x16xf32>,
        %get3A_958 = vector.shape_cast %get3A_957 : vector<1x16xf32> to vector<16xf32>
        %add3A_959 = arith.addf %scan3A_896, %get3A_958 : vector<16xf32>
        %swap3A_960 = arith.index_cast %scan3A_890 : i32 to index
        %swap3A_961 = arith.constant 80 : index
        %swap3A_962 = tpu.vector_load %arg6[%swap3A_960, %swap3A_961] {strides = array<i32>} : memref<64x256xf32, #tpu.memory_space<vmem>>, vector<1x16xf32>,
        %swap3A_963 = vector.shape_cast %swap3A_962 : vector<1x16xf32> to vector<16xf32>
        %swap3A_964 = vector.shape_cast %add3A_959 : vector<16xf32> to vector<1x16xf32>
        tpu.vector_store %arg6[%swap3A_960, %swap3A_961], %swap3A_964 {strides = array<i32>} : memref<64x256xf32, #tpu.memory_space<vmem>>, vector<1x16xf32>,
        %get3A_965 = arith.index_cast %scan3A_890 : i32 to index
        %get3A_966 = arith.constant 96 : index
        %get3A_967 = tpu.vector_load %arg4[%get3A_965, %get3A_966] {strides = array<i32>} : memref<64x256xf32, #tpu.memory_space<vmem>>, vector<1x16xf32>,
        %get3A_968 = vector.shape_cast %get3A_967 : vector<1x16xf32> to vector<16xf32>
        %add3A_969 = arith.addf %scan3A_897, %get3A_968 : vector<16xf32>
        %swap3A_970 = arith.index_cast %scan3A_890 : i32 to index
        %swap3A_971 = arith.constant 96 : index
        %swap3A_972 = tpu.vector_load %arg6[%swap3A_970, %swap3A_971] {strides = array<i32>} : memref<64x256xf32, #tpu.memory_space<vmem>>, vector<1x16xf32>,
        %swap3A_973 = vector.shape_cast %swap3A_972 : vector<1x16xf32> to vector<16xf32>
        %swap3A_974 = vector.shape_cast %add3A_969 : vector<16xf32> to vector<1x16xf32>
        tpu.vector_store %arg6[%swap3A_970, %swap3A_971], %swap3A_974 {strides = array<i32>} : memref<64x256xf32, #tpu.memory_space<vmem>>, vector<1x16xf32>,
        %get3A_975 = arith.index_cast %scan3A_890 : i32 to index
        %get3A_976 = arith.constant 112 : index
        %get3A_977 = tpu.vector_load %arg4[%get3A_975, %get3A_976] {strides = array<i32>} : memref<64x256xf32, #tpu.memory_space<vmem>>, vector<1x16xf32>,
        %get3A_978 = vector.shape_cast %get3A_977 : vector<1x16xf32> to vector<16xf32>
        %add3A_979 = arith.addf %scan3A_898, %get3A_978 : vector<16xf32>
        %swap3A_980 = arith.index_cast %scan3A_890 : i32 to index
        %swap3A_981 = arith.constant 112 : index
        %swap3A_982 = tpu.vector_load %arg6[%swap3A_980, %swap3A_981] {strides = array<i32>} : memref<64x256xf32, #tpu.memory_space<vmem>>, vector<1x16xf32>,
        %swap3A_983 = vector.shape_cast %swap3A_982 : vector<1x16xf32> to vector<16xf32>
        %swap3A_984 = vector.shape_cast %add3A_979 : vector<16xf32> to vector<1x16xf32>
        tpu.vector_store %arg6[%swap3A_980, %swap3A_981], %swap3A_984 {strides = array<i32>} : memref<64x256xf32, #tpu.memory_space<vmem>>, vector<1x16xf32>,
        %get3A_985 = arith.index_cast %scan3A_890 : i32 to index
        %get3A_986 = arith.constant 128 : index
        %get3A_987 = tpu.vector_load %arg4[%get3A_985, %get3A_986] {strides = array<i32>} : memref<64x256xf32, #tpu.memory_space<vmem>>, vector<1x16xf32>,
        %get3A_988 = vector.shape_cast %get3A_987 : vector<1x16xf32> to vector<16xf32>
        %add3A_989 = arith.addf %scan3A_899, %get3A_988 : vector<16xf32>
        %swap3A_990 = arith.index_cast %scan3A_890 : i32 to index
        %swap3A_991 = arith.constant 128 : index
        %swap3A_992 = tpu.vector_load %arg6[%swap3A_990, %swap3A_991] {strides = array<i32>} : memref<64x256xf32, #tpu.memory_space<vmem>>, vector<1x16xf32>,
        %swap3A_993 = vector.shape_cast %swap3A_992 : vector<1x16xf32> to vector<16xf32>
        %swap3A_994 = vector.shape_cast %add3A_989 : vector<16xf32> to vector<1x16xf32>
        tpu.vector_store %arg6[%swap3A_990, %swap3A_991], %swap3A_994 {strides = array<i32>} : memref<64x256xf32, #tpu.memory_space<vmem>>, vector<1x16xf32>,
        %get3A_995 = arith.index_cast %scan3A_890 : i32 to index
        %get3A_996 = arith.constant 144 : index
        %get3A_997 = tpu.vector_load %arg4[%get3A_995, %get3A_996] {strides = array<i32>} : memref<64x256xf32, #tpu.memory_space<vmem>>, vector<1x16xf32>,
        %get3A_998 = vector.shape_cast %get3A_997 : vector<1x16xf32> to vector<16xf32>
        %add3A_999 = arith.addf %scan3A_900, %get3A_998 : vector<16xf32>
        %swap3A_1000 = arith.index_cast %scan3A_890 : i32 to index
        %swap3A_1001 = arith.constant 144 : index
        %swap3A_1002 = tpu.vector_load %arg6[%swap3A_1000, %swap3A_1001] {strides = array<i32>} : memref<64x256xf32, #tpu.memory_space<vmem>>, vector<1x16xf32>,
        %swap3A_1003 = vector.shape_cast %swap3A_1002 : vector<1x16xf32> to vector<16xf32>
        %swap3A_1004 = vector.shape_cast %add3A_999 : vector<16xf32> to vector<1x16xf32>
        tpu.vector_store %arg6[%swap3A_1000, %swap3A_1001], %swap3A_1004 {strides = array<i32>} : memref<64x256xf32, #tpu.memory_space<vmem>>, vector<1x16xf32>,
        %get3A_1005 = arith.index_cast %scan3A_890 : i32 to index
        %get3A_1006 = arith.constant 160 : index
        %get3A_1007 = tpu.vector_load %arg4[%get3A_1005, %get3A_1006] {strides = array<i32>} : memref<64x256xf32, #tpu.memory_space<vmem>>, vector<1x16xf32>,
        %get3A_1008 = vector.shape_cast %get3A_1007 : vector<1x16xf32> to vector<16xf32>
        %add3A_1009 = arith.addf %scan3A_901, %get3A_1008 : vector<16xf32>
        %swap3A_1010 = arith.index_cast %scan3A_890 : i32 to index
        %swap3A_1011 = arith.constant 160 : index
        %swap3A_1012 = tpu.vector_load %arg6[%swap3A_1010, %swap3A_1011] {strides = array<i32>} : memref<64x256xf32, #tpu.memory_space<vmem>>, vector<1x16xf32>,
        %swap3A_1013 = vector.shape_cast %swap3A_1012 : vector<1x16xf32> to vector<16xf32>
        %swap3A_1014 = vector.shape_cast %add3A_1009 : vector<16xf32> to vector<1x16xf32>
        tpu.vector_store %arg6[%swap3A_1010, %swap3A_1011], %swap3A_1014 {strides = array<i32>} : memref<64x256xf32, #tpu.memory_space<vmem>>, vector<1x16xf32>,
        %get3A_1015 = arith.index_cast %scan3A_890 : i32 to index
        %get3A_1016 = arith.constant 176 : index
        %get3A_1017 = tpu.vector_load %arg4[%get3A_1015, %get3A_1016] {strides = array<i32>} : memref<64x256xf32, #tpu.memory_space<vmem>>, vector<1x16xf32>,
        %get3A_1018 = vector.shape_cast %get3A_1017 : vector<1x16xf32> to vector<16xf32>
        %add3A_1019 = arith.addf %scan3A_902, %get3A_1018 : vector<16xf32>
        %swap3A_1020 = arith.index_cast %scan3A_890 : i32 to index
        %swap3A_1021 = arith.constant 176 : index
        %swap3A_1022 = tpu.vector_load %arg6[%swap3A_1020, %swap3A_1021] {strides = array<i32>} : memref<64x256xf32, #tpu.memory_space<vmem>>, vector<1x16xf32>,
        %swap3A_1023 = vector.shape_cast %swap3A_1022 : vector<1x16xf32> to vector<16xf32>
        %swap3A_1024 = vector.shape_cast %add3A_1019 : vector<16xf32> to vector<1x16xf32>
        tpu.vector_store %arg6[%swap3A_1020, %swap3A_1021], %swap3A_1024 {strides = array<i32>} : memref<64x256xf32, #tpu.memory_space<vmem>>, vector<1x16xf32>,
        %get3A_1025 = arith.index_cast %scan3A_890 : i32 to index
        %get3A_1026 = arith.constant 192 : index
        %get3A_1027 = tpu.vector_load %arg4[%get3A_1025, %get3A_1026] {strides = array<i32>} : memref<64x256xf32, #tpu.memory_space<vmem>>, vector<1x16xf32>,
        %get3A_1028 = vector.shape_cast %get3A_1027 : vector<1x16xf32> to vector<16xf32>
        %add3A_1029 = arith.addf %scan3A_903, %get3A_1028 : vector<16xf32>
        %swap3A_1030 = arith.index_cast %scan3A_890 : i32 to index
        %swap3A_1031 = arith.constant 192 : index
        %swap3A_1032 = tpu.vector_load %arg6[%swap3A_1030, %swap3A_1031] {strides = array<i32>} : memref<64x256xf32, #tpu.memory_space<vmem>>, vector<1x16xf32>,
        %swap3A_1033 = vector.shape_cast %swap3A_1032 : vector<1x16xf32> to vector<16xf32>
        %swap3A_1034 = vector.shape_cast %add3A_1029 : vector<16xf32> to vector<1x16xf32>
        tpu.vector_store %arg6[%swap3A_1030, %swap3A_1031], %swap3A_1034 {strides = array<i32>} : memref<64x256xf32, #tpu.memory_space<vmem>>, vector<1x16xf32>,
        %get3A_1035 = arith.index_cast %scan3A_890 : i32 to index
        %get3A_1036 = arith.constant 208 : index
        %get3A_1037 = tpu.vector_load %arg4[%get3A_1035, %get3A_1036] {strides = array<i32>} : memref<64x256xf32, #tpu.memory_space<vmem>>, vector<1x16xf32>,
        %get3A_1038 = vector.shape_cast %get3A_1037 : vector<1x16xf32> to vector<16xf32>
        %add3A_1039 = arith.addf %scan3A_904, %get3A_1038 : vector<16xf32>
        %swap3A_1040 = arith.index_cast %scan3A_890 : i32 to index
        %swap3A_1041 = arith.constant 208 : index
        %swap3A_1042 = tpu.vector_load %arg6[%swap3A_1040, %swap3A_1041] {strides = array<i32>} : memref<64x256xf32, #tpu.memory_space<vmem>>, vector<1x16xf32>,
        %swap3A_1043 = vector.shape_cast %swap3A_1042 : vector<1x16xf32> to vector<16xf32>
        %swap3A_1044 = vector.shape_cast %add3A_1039 : vector<16xf32> to vector<1x16xf32>
        tpu.vector_store %arg6[%swap3A_1040, %swap3A_1041], %swap3A_1044 {strides = array<i32>} : memref<64x256xf32, #tpu.memory_space<vmem>>, vector<1x16xf32>,
        %get3A_1045 = arith.index_cast %scan3A_890 : i32 to index
        %get3A_1046 = arith.constant 224 : index
        %get3A_1047 = tpu.vector_load %arg4[%get3A_1045, %get3A_1046] {strides = array<i32>} : memref<64x256xf32, #tpu.memory_space<vmem>>, vector<1x16xf32>,
        %get3A_1048 = vector.shape_cast %get3A_1047 : vector<1x16xf32> to vector<16xf32>
        %add3A_1049 = arith.addf %scan3A_905, %get3A_1048 : vector<16xf32>
        %swap3A_1050 = arith.index_cast %scan3A_890 : i32 to index
        %swap3A_1051 = arith.constant 224 : index
        %swap3A_1052 = tpu.vector_load %arg6[%swap3A_1050, %swap3A_1051] {strides = array<i32>} : memref<64x256xf32, #tpu.memory_space<vmem>>, vector<1x16xf32>,
        %swap3A_1053 = vector.shape_cast %swap3A_1052 : vector<1x16xf32> to vector<16xf32>
        %swap3A_1054 = vector.shape_cast %add3A_1049 : vector<16xf32> to vector<1x16xf32>
        tpu.vector_store %arg6[%swap3A_1050, %swap3A_1051], %swap3A_1054 {strides = array<i32>} : memref<64x256xf32, #tpu.memory_space<vmem>>, vector<1x16xf32>,
        %get3A_1055 = arith.index_cast %scan3A_890 : i32 to index
        %get3A_1056 = arith.constant 240 : index
        %get3A_1057 = tpu.vector_load %arg4[%get3A_1055, %get3A_1056] {strides = array<i32>} : memref<64x256xf32, #tpu.memory_space<vmem>>, vector<1x16xf32>,
        %get3A_1058 = vector.shape_cast %get3A_1057 : vector<1x16xf32> to vector<16xf32>
        %add3A_1059 = arith.addf %scan3A_906, %get3A_1058 : vector<16xf32>
        %swap3A_1060 = arith.index_cast %scan3A_890 : i32 to index
        %swap3A_1061 = arith.constant 240 : index
        %swap3A_1062 = tpu.vector_load %arg6[%swap3A_1060, %swap3A_1061] {strides = array<i32>} : memref<64x256xf32, #tpu.memory_space<vmem>>, vector<1x16xf32>,
        %swap3A_1063 = vector.shape_cast %swap3A_1062 : vector<1x16xf32> to vector<16xf32>
        %swap3A_1064 = vector.shape_cast %add3A_1059 : vector<16xf32> to vector<1x16xf32>
        tpu.vector_store %arg6[%swap3A_1060, %swap3A_1061], %swap3A_1064 {strides = array<i32>} : memref<64x256xf32, #tpu.memory_space<vmem>>, vector<1x16xf32>,
        scf.yield %add3A_910, %add3A_919, %add3A_929, %add3A_939, %add3A_949, %add3A_959, %add3A_969, %add3A_979, %add3A_989, %add3A_999, %add3A_1009, %add3A_1019, %add3A_1029, %add3A_1039, %add3A_1049, %add3A_1059 : vector<16xf32>, vector<16xf32>, vector<16xf32>, vector<16xf32>, vector<16xf32>, vector<16xf32>, vector<16xf32>, vector<16xf32>, vector<16xf32>, vector<16xf32>, vector<16xf32>, vector<16xf32>, vector<16xf32>, vector<16xf32>, vector<16xf32>, vector<16xf32>
      }
      %scan3A_512 = arith.constant 64 : i32
      %jit3A_513 = arith.constant 64 : i32
      %div3A_514 = arith.divsi %add3A_344, %jit3A_513 : i32
      %sign3A_515 = arith.constant 0 : i32
      %sign3A_516 = arith.cmpi sgt, %add3A_344, %sign3A_515 : i32
      %sign3A_517 = arith.extui %sign3A_516 : i1 to i32
      %sign3A_518 = arith.constant 0 : i32
      %sign3A_519 = arith.cmpi slt, %add3A_344, %sign3A_518 : i32
      %sign3A_520 = arith.extui %sign3A_519 : i1 to i32
      %sign3A_521 = arith.subi %sign3A_517, %sign3A_520 : i32
      %sign3A_522 = arith.constant 0 : i32
      %sign3A_523 = arith.cmpi sgt, %jit3A_513, %sign3A_522 : i32
      %sign3A_524 = arith.extui %sign3A_523 : i1 to i32
      %sign3A_525 = arith.constant 0 : i32
      %sign3A_526 = arith.cmpi slt, %jit3A_513, %sign3A_525 : i32
      %sign3A_527 = arith.extui %sign3A_526 : i1 to i32
      %sign3A_528 = arith.subi %sign3A_524, %sign3A_527 : i32
      %ne3A_529 = arith.cmpi ne, %sign3A_521, %sign3A_528 : i32
      %rem3A_530 = arith.remsi %add3A_344, %jit3A_513 : i32
      %ne3A_531 = arith.constant 0 : i32
      %ne3A_532 = arith.cmpi ne, %rem3A_530, %ne3A_531 : i32
      %and3A_533 = arith.andi %ne3A_529, %ne3A_532 : i1
      %sub3A_534 = arith.constant 1 : i32
      %sub3A_535 = arith.subi %div3A_514, %sub3A_534 : i32
      %select_n3A_536 = arith.select %and3A_533, %sub3A_535, %div3A_514 : i32
      %mul3A_537 = arith.constant 1 : i32
      %mul3A_538 = arith.muli %add3A, %mul3A_537 : i32
      %add3A_539 = arith.addi %mul3A_538, %select_n3A_536 : i32
      %jit3A_540 = arith.constant 8 : i32
      %div3A_541 = arith.divsi %add3A_539, %jit3A_540 : i32
      %sign3A_542 = arith.constant 0 : i32
      %sign3A_543 = arith.cmpi sgt, %add3A_539, %sign3A_542 : i32
      %sign3A_544 = arith.extui %sign3A_543 : i1 to i32
      %sign3A_545 = arith.constant 0 : i32
      %sign3A_546 = arith.cmpi slt, %add3A_539, %sign3A_545 : i32
      %sign3A_547 = arith.extui %sign3A_546 : i1 to i32
      %sign3A_548 = arith.subi %sign3A_544, %sign3A_547 : i32
      %sign3A_549 = arith.constant 0 : i32
      %sign3A_550 = arith.cmpi sgt, %jit3A_540, %sign3A_549 : i32
      %sign3A_551 = arith.extui %sign3A_550 : i1 to i32
      %sign3A_552 = arith.constant 0 : i32
      %sign3A_553 = arith.cmpi slt, %jit3A_540, %sign3A_552 : i32
      %sign3A_554 = arith.extui %sign3A_553 : i1 to i32
      %sign3A_555 = arith.subi %sign3A_551, %sign3A_554 : i32
      %ne3A_556 = arith.cmpi ne, %sign3A_548, %sign3A_555 : i32
      %rem3A_557 = arith.remsi %add3A_539, %jit3A_540 : i32
      %ne3A_558 = arith.constant 0 : i32
      %ne3A_559 = arith.cmpi ne, %rem3A_557, %ne3A_558 : i32
      %and3A_560 = arith.andi %ne3A_556, %ne3A_559 : i1
      %sub3A_561 = arith.constant 1 : i32
      %sub3A_562 = arith.subi %div3A_541, %sub3A_561 : i32
      %select_n3A_563 = arith.select %and3A_560, %sub3A_562, %div3A_541 : i32
      %jit3A_564 = arith.constant 8 : i32
      %eq3A_565 = arith.constant 0 : i32
      %eq3A_566 = arith.cmpi eq, %jit3A_564, %eq3A_565 : i32
      %jit3A_567 = arith.constant 1 : i32
      %select_n3A_568 = arith.select %eq3A_566, %jit3A_567, %jit3A_564 : i32
      %rem3A_569 = arith.remsi %add3A_539, %select_n3A_568 : i32
      %ne3A_570 = arith.constant 0 : i32
      %ne3A_571 = arith.cmpi ne, %rem3A_569, %ne3A_570 : i32
      %lt3A_572 = arith.constant 0 : i32
      %lt3A_573 = arith.cmpi slt, %rem3A_569, %lt3A_572 : i32
      %lt3A_574 = arith.constant 0 : i32
      %lt3A_575 = arith.cmpi slt, %select_n3A_568, %lt3A_574 : i32
      %ne3A_576 = arith.xori %lt3A_573, %lt3A_575 : i1
      %and3A_577 = arith.andi %ne3A_576, %ne3A_571 : i1
      %add3A_578 = arith.addi %rem3A_569, %select_n3A_568 : i32
      %select_n3A_579 = arith.select %and3A_577, %add3A_578, %rem3A_569 : i32
      %mul3A_580 = arith.constant 256 : i32
      %mul3A_581 = arith.muli %select_n3A_579, %mul3A_580 : i32
      %multiple_of3A_582 = tpu.assume_multiple %mul3A_581, 256 : i32
      %mul3A_583 = arith.constant 4096 : i32
      %mul3A_584 = arith.muli %select_n3A_563, %mul3A_583 : i32
      %jit3A_585 = arith.constant 64 : i32
      %eq3A_586 = arith.constant 0 : i32
      %eq3A_587 = arith.cmpi eq, %jit3A_585, %eq3A_586 : i32
      %jit3A_588 = arith.constant 1 : i32
      %select_n3A_589 = arith.select %eq3A_587, %jit3A_588, %jit3A_585 : i32
      %rem3A_590 = arith.remsi %add3A_344, %select_n3A_589 : i32
      %ne3A_591 = arith.constant 0 : i32
      %ne3A_592 = arith.cmpi ne, %rem3A_590, %ne3A_591 : i32
      %lt3A_593 = arith.constant 0 : i32
      %lt3A_594 = arith.cmpi slt, %rem3A_590, %lt3A_593 : i32
      %lt3A_595 = arith.constant 0 : i32
      %lt3A_596 = arith.cmpi slt, %select_n3A_589, %lt3A_595 : i32
      %ne3A_597 = arith.xori %lt3A_594, %lt3A_596 : i1
      %and3A_598 = arith.andi %ne3A_597, %ne3A_592 : i1
      %add3A_599 = arith.addi %rem3A_590, %select_n3A_589 : i32
      %select_n3A_600 = arith.select %and3A_598, %add3A_599, %rem3A_590 : i32
      %mul3A_601 = arith.constant 64 : i32
      %mul3A_602 = arith.muli %select_n3A_600, %mul3A_601 : i32
      %add3A_603 = arith.addi %mul3A_584, %mul3A_602 : i32
      %multiple_of3A_604 = tpu.assume_multiple %add3A_603, 64 : i32
      %dma_start3A_605 = tpu.memref_slice %arg3[%multiple_of3A_604, %multiple_of3A_582] : memref<16384x2048xf32, #tpu.memory_space<hbm>> -> memref<64x256xf32, #tpu.memory_space<hbm>>
      %dma_start3A_606 = tpu.memref_slice %arg3[%multiple_of3A_604, %multiple_of3A_582] : memref<16384x2048xf32, #tpu.memory_space<hbm>> -> memref<64x256xf32, #tpu.memory_space<hbm>>
      tpu.enqueue_dma source(%arg6 : memref<64x256xf32, #tpu.memory_space<vmem>>) target(%dma_start3A_606 : memref<64x256xf32, #tpu.memory_space<hbm>>) target_semaphore(%arg10 : memref<!tpu.dma_semaphore, #tpu.memory_space<semaphore_mem>>)
      %add3A_607 = arith.constant 2 : i32
      %add3A_608 = arith.addi %add3A_344, %add3A_607 : i32
      %lt3A_609 = arith.constant 64 : i32
      %lt3A_610 = arith.cmpi slt, %add3A_608, %lt3A_609 : i32
      %convert_element_type3A_611 = arith.extui %lt3A_610 : i1 to i32
      %cond3A_612 = arith.constant 0 : i32
      %cond3A_613 = arith.cmpi ne, %convert_element_type3A_611, %cond3A_612 : i32
      scf.if %cond3A_613 {
        %add3A_890 = arith.constant 2 : i32
        %add3A_891 = arith.addi %add3A_344, %add3A_890 : i32
        %jit3A_892 = arith.constant 64 : i32
        %div3A_893 = arith.divsi %add3A_891, %jit3A_892 : i32
        %sign3A_894 = arith.constant 0 : i32
        %sign3A_895 = arith.cmpi sgt, %add3A_891, %sign3A_894 : i32
        %sign3A_896 = arith.extui %sign3A_895 : i1 to i32
        %sign3A_897 = arith.constant 0 : i32
        %sign3A_898 = arith.cmpi slt, %add3A_891, %sign3A_897 : i32
        %sign3A_899 = arith.extui %sign3A_898 : i1 to i32
        %sign3A_900 = arith.subi %sign3A_896, %sign3A_899 : i32
        %sign3A_901 = arith.constant 0 : i32
        %sign3A_902 = arith.cmpi sgt, %jit3A_892, %sign3A_901 : i32
        %sign3A_903 = arith.extui %sign3A_902 : i1 to i32
        %sign3A_904 = arith.constant 0 : i32
        %sign3A_905 = arith.cmpi slt, %jit3A_892, %sign3A_904 : i32
        %sign3A_906 = arith.extui %sign3A_905 : i1 to i32
        %sign3A_907 = arith.subi %sign3A_903, %sign3A_906 : i32
        %ne3A_908 = arith.cmpi ne, %sign3A_900, %sign3A_907 : i32
        %rem3A_909 = arith.remsi %add3A_891, %jit3A_892 : i32
        %ne3A_910 = arith.constant 0 : i32
        %ne3A_911 = arith.cmpi ne, %rem3A_909, %ne3A_910 : i32
        %and3A_912 = arith.andi %ne3A_908, %ne3A_911 : i1
        %sub3A_913 = arith.constant 1 : i32
        %sub3A_914 = arith.subi %div3A_893, %sub3A_913 : i32
        %select_n3A_915 = arith.select %and3A_912, %sub3A_914, %div3A_893 : i32
        %mul3A_916 = arith.constant 1 : i32
        %mul3A_917 = arith.muli %add3A, %mul3A_916 : i32
        %add3A_918 = arith.addi %mul3A_917, %select_n3A_915 : i32
        %jit3A_919 = arith.constant 8 : i32
        %div3A_920 = arith.divsi %add3A_918, %jit3A_919 : i32
        %sign3A_921 = arith.constant 0 : i32
        %sign3A_922 = arith.cmpi sgt, %add3A_918, %sign3A_921 : i32
        %sign3A_923 = arith.extui %sign3A_922 : i1 to i32
        %sign3A_924 = arith.constant 0 : i32
        %sign3A_925 = arith.cmpi slt, %add3A_918, %sign3A_924 : i32
        %sign3A_926 = arith.extui %sign3A_925 : i1 to i32
        %sign3A_927 = arith.subi %sign3A_923, %sign3A_926 : i32
        %sign3A_928 = arith.constant 0 : i32
        %sign3A_929 = arith.cmpi sgt, %jit3A_919, %sign3A_928 : i32
        %sign3A_930 = arith.extui %sign3A_929 : i1 to i32
        %sign3A_931 = arith.constant 0 : i32
        %sign3A_932 = arith.cmpi slt, %jit3A_919, %sign3A_931 : i32
        %sign3A_933 = arith.extui %sign3A_932 : i1 to i32
        %sign3A_934 = arith.subi %sign3A_930, %sign3A_933 : i32
        %ne3A_935 = arith.cmpi ne, %sign3A_927, %sign3A_934 : i32
        %rem3A_936 = arith.remsi %add3A_918, %jit3A_919 : i32
        %ne3A_937 = arith.constant 0 : i32
        %ne3A_938 = arith.cmpi ne, %rem3A_936, %ne3A_937 : i32
        %and3A_939 = arith.andi %ne3A_935, %ne3A_938 : i1
        %sub3A_940 = arith.constant 1 : i32
        %sub3A_941 = arith.subi %div3A_920, %sub3A_940 : i32
        %select_n3A_942 = arith.select %and3A_939, %sub3A_941, %div3A_920 : i32
        %jit3A_943 = arith.constant 8 : i32
        %eq3A_944 = arith.constant 0 : i32
        %eq3A_945 = arith.cmpi eq, %jit3A_943, %eq3A_944 : i32
        %jit3A_946 = arith.constant 1 : i32
        %select_n3A_947 = arith.select %eq3A_945, %jit3A_946, %jit3A_943 : i32
        %rem3A_948 = arith.remsi %add3A_918, %select_n3A_947 : i32
        %ne3A_949 = arith.constant 0 : i32
        %ne3A_950 = arith.cmpi ne, %rem3A_948, %ne3A_949 : i32
        %lt3A_951 = arith.constant 0 : i32
        %lt3A_952 = arith.cmpi slt, %rem3A_948, %lt3A_951 : i32
        %lt3A_953 = arith.constant 0 : i32
        %lt3A_954 = arith.cmpi slt, %select_n3A_947, %lt3A_953 : i32
        %ne3A_955 = arith.xori %lt3A_952, %lt3A_954 : i1
        %and3A_956 = arith.andi %ne3A_955, %ne3A_950 : i1
        %add3A_957 = arith.addi %rem3A_948, %select_n3A_947 : i32
        %select_n3A_958 = arith.select %and3A_956, %add3A_957, %rem3A_948 : i32
        %mul3A_959 = arith.constant 256 : i32
        %mul3A_960 = arith.muli %select_n3A_958, %mul3A_959 : i32
        %multiple_of3A_961 = tpu.assume_multiple %mul3A_960, 256 : i32
        %mul3A_962 = arith.constant 4096 : i32
        %mul3A_963 = arith.muli %select_n3A_942, %mul3A_962 : i32
        %jit3A_964 = arith.constant 64 : i32
        %eq3A_965 = arith.constant 0 : i32
        %eq3A_966 = arith.cmpi eq, %jit3A_964, %eq3A_965 : i32
        %jit3A_967 = arith.constant 1 : i32
        %select_n3A_968 = arith.select %eq3A_966, %jit3A_967, %jit3A_964 : i32
        %rem3A_969 = arith.remsi %add3A_891, %select_n3A_968 : i32
        %ne3A_970 = arith.constant 0 : i32
        %ne3A_971 = arith.cmpi ne, %rem3A_969, %ne3A_970 : i32
        %lt3A_972 = arith.constant 0 : i32
        %lt3A_973 = arith.cmpi slt, %rem3A_969, %lt3A_972 : i32
        %lt3A_974 = arith.constant 0 : i32
        %lt3A_975 = arith.cmpi slt, %select_n3A_968, %lt3A_974 : i32
        %ne3A_976 = arith.xori %lt3A_973, %lt3A_975 : i1
        %and3A_977 = arith.andi %ne3A_976, %ne3A_971 : i1
        %add3A_978 = arith.addi %rem3A_969, %select_n3A_968 : i32
        %select_n3A_979 = arith.select %and3A_977, %add3A_978, %rem3A_969 : i32
        %mul3A_980 = arith.constant 64 : i32
        %mul3A_981 = arith.muli %select_n3A_979, %mul3A_980 : i32
        %add3A_982 = arith.addi %mul3A_963, %mul3A_981 : i32
        %multiple_of3A_983 = tpu.assume_multiple %add3A_982, 64 : i32
        %dma_start3A_984 = tpu.memref_slice %arg2[%multiple_of3A_983, %multiple_of3A_961] : memref<16384x2048xf32, #tpu.memory_space<hbm>> -> memref<64x256xf32, #tpu.memory_space<hbm>>
        %dma_start3A_985 = tpu.memref_slice %arg2[%multiple_of3A_983, %multiple_of3A_961] : memref<16384x2048xf32, #tpu.memory_space<hbm>> -> memref<64x256xf32, #tpu.memory_space<hbm>>
        tpu.enqueue_dma source(%dma_start3A_985 : memref<64x256xf32, #tpu.memory_space<hbm>>) target(%arg4 : memref<64x256xf32, #tpu.memory_space<vmem>>) target_semaphore(%arg8 : memref<!tpu.dma_semaphore, #tpu.memory_space<semaphore_mem>>)
      } else {
      }
      %mul3A_614 = arith.constant 2 : i32
      %mul3A_615 = arith.muli %mul3A_614, %scan3A_324 : i32
      %add3A_616 = arith.constant 1 : i32
      %add3A_617 = arith.addi %mul3A_615, %add3A_616 : i32
      %jit3A_618 = arith.constant 64 : i32
      %div3A_619 = arith.divsi %add3A_617, %jit3A_618 : i32
      %sign3A_620 = arith.constant 0 : i32
      %sign3A_621 = arith.cmpi sgt, %add3A_617, %sign3A_620 : i32
      %sign3A_622 = arith.extui %sign3A_621 : i1 to i32
      %sign3A_623 = arith.constant 0 : i32
      %sign3A_624 = arith.cmpi slt, %add3A_617, %sign3A_623 : i32
      %sign3A_625 = arith.extui %sign3A_624 : i1 to i32
      %sign3A_626 = arith.subi %sign3A_622, %sign3A_625 : i32
      %sign3A_627 = arith.constant 0 : i32
      %sign3A_628 = arith.cmpi sgt, %jit3A_618, %sign3A_627 : i32
      %sign3A_629 = arith.extui %sign3A_628 : i1 to i32
      %sign3A_630 = arith.constant 0 : i32
      %sign3A_631 = arith.cmpi slt, %jit3A_618, %sign3A_630 : i32
      %sign3A_632 = arith.extui %sign3A_631 : i1 to i32
      %sign3A_633 = arith.subi %sign3A_629, %sign3A_632 : i32
      %ne3A_634 = arith.cmpi ne, %sign3A_626, %sign3A_633 : i32
      %rem3A_635 = arith.remsi %add3A_617, %jit3A_618 : i32
      %ne3A_636 = arith.constant 0 : i32
      %ne3A_637 = arith.cmpi ne, %rem3A_635, %ne3A_636 : i32
      %and3A_638 = arith.andi %ne3A_634, %ne3A_637 : i1
      %sub3A_639 = arith.constant 1 : i32
      %sub3A_640 = arith.subi %div3A_619, %sub3A_639 : i32
      %select_n3A_641 = arith.select %and3A_638, %sub3A_640, %div3A_619 : i32
      %mul3A_642 = arith.constant 1 : i32
      %mul3A_643 = arith.muli %add3A, %mul3A_642 : i32
      %add3A_644 = arith.addi %mul3A_643, %select_n3A_641 : i32
      %jit3A_645 = arith.constant 8 : i32
      %div3A_646 = arith.divsi %add3A_644, %jit3A_645 : i32
      %sign3A_647 = arith.constant 0 : i32
      %sign3A_648 = arith.cmpi sgt, %add3A_644, %sign3A_647 : i32
      %sign3A_649 = arith.extui %sign3A_648 : i1 to i32
      %sign3A_650 = arith.constant 0 : i32
      %sign3A_651 = arith.cmpi slt, %add3A_644, %sign3A_650 : i32
      %sign3A_652 = arith.extui %sign3A_651 : i1 to i32
      %sign3A_653 = arith.subi %sign3A_649, %sign3A_652 : i32
      %sign3A_654 = arith.constant 0 : i32
      %sign3A_655 = arith.cmpi sgt, %jit3A_645, %sign3A_654 : i32
      %sign3A_656 = arith.extui %sign3A_655 : i1 to i32
      %sign3A_657 = arith.constant 0 : i32
      %sign3A_658 = arith.cmpi slt, %jit3A_645, %sign3A_657 : i32
      %sign3A_659 = arith.extui %sign3A_658 : i1 to i32
      %sign3A_660 = arith.subi %sign3A_656, %sign3A_659 : i32
      %ne3A_661 = arith.cmpi ne, %sign3A_653, %sign3A_660 : i32
      %rem3A_662 = arith.remsi %add3A_644, %jit3A_645 : i32
      %ne3A_663 = arith.constant 0 : i32
      %ne3A_664 = arith.cmpi ne, %rem3A_662, %ne3A_663 : i32
      %and3A_665 = arith.andi %ne3A_661, %ne3A_664 : i1
      %sub3A_666 = arith.constant 1 : i32
      %sub3A_667 = arith.subi %div3A_646, %sub3A_666 : i32
      %select_n3A_668 = arith.select %and3A_665, %sub3A_667, %div3A_646 : i32
      %jit3A_669 = arith.constant 8 : i32
      %eq3A_670 = arith.constant 0 : i32
      %eq3A_671 = arith.cmpi eq, %jit3A_669, %eq3A_670 : i32
      %jit3A_672 = arith.constant 1 : i32
      %select_n3A_673 = arith.select %eq3A_671, %jit3A_672, %jit3A_669 : i32
      %rem3A_674 = arith.remsi %add3A_644, %select_n3A_673 : i32
      %ne3A_675 = arith.constant 0 : i32
      %ne3A_676 = arith.cmpi ne, %rem3A_674, %ne3A_675 : i32
      %lt3A_677 = arith.constant 0 : i32
      %lt3A_678 = arith.cmpi slt, %rem3A_674, %lt3A_677 : i32
      %lt3A_679 = arith.constant 0 : i32
      %lt3A_680 = arith.cmpi slt, %select_n3A_673, %lt3A_679 : i32
      %ne3A_681 = arith.xori %lt3A_678, %lt3A_680 : i1
      %and3A_682 = arith.andi %ne3A_681, %ne3A_676 : i1
      %add3A_683 = arith.addi %rem3A_674, %select_n3A_673 : i32
      %select_n3A_684 = arith.select %and3A_682, %add3A_683, %rem3A_674 : i32
      %mul3A_685 = arith.constant 256 : i32
      %mul3A_686 = arith.muli %select_n3A_684, %mul3A_685 : i32
      %multiple_of3A_687 = tpu.assume_multiple %mul3A_686, 256 : i32
      %mul3A_688 = arith.constant 4096 : i32
      %mul3A_689 = arith.muli %select_n3A_668, %mul3A_688 : i32
      %jit3A_690 = arith.constant 64 : i32
      %eq3A_691 = arith.constant 0 : i32
      %eq3A_692 = arith.cmpi eq, %jit3A_690, %eq3A_691 : i32
      %jit3A_693 = arith.constant 1 : i32
      %select_n3A_694 = arith.select %eq3A_692, %jit3A_693, %jit3A_690 : i32
      %rem3A_695 = arith.remsi %add3A_617, %select_n3A_694 : i32
      %ne3A_696 = arith.constant 0 : i32
      %ne3A_697 = arith.cmpi ne, %rem3A_695, %ne3A_696 : i32
      %lt3A_698 = arith.constant 0 : i32
      %lt3A_699 = arith.cmpi slt, %rem3A_695, %lt3A_698 : i32
      %lt3A_700 = arith.constant 0 : i32
      %lt3A_701 = arith.cmpi slt, %select_n3A_694, %lt3A_700 : i32
      %ne3A_702 = arith.xori %lt3A_699, %lt3A_701 : i1
      %and3A_703 = arith.andi %ne3A_702, %ne3A_697 : i1
      %add3A_704 = arith.addi %rem3A_695, %select_n3A_694 : i32
      %select_n3A_705 = arith.select %and3A_703, %add3A_704, %rem3A_695 : i32
      %mul3A_706 = arith.constant 64 : i32
      %mul3A_707 = arith.muli %select_n3A_705, %mul3A_706 : i32
      %add3A_708 = arith.addi %mul3A_689, %mul3A_707 : i32
      %multiple_of3A_709 = tpu.assume_multiple %add3A_708, 64 : i32
      %dma_wait3A_710 = tpu.memref_slice %arg2[%multiple_of3A_709, %multiple_of3A_687] : memref<16384x2048xf32, #tpu.memory_space<hbm>> -> memref<64x256xf32, #tpu.memory_space<hbm>>
      %dma_wait3A_711 = tpu.memref_slice %arg2[%multiple_of3A_709, %multiple_of3A_687] : memref<16384x2048xf32, #tpu.memory_space<hbm>> -> memref<64x256xf32, #tpu.memory_space<hbm>>
      tpu.wait_dma2 semaphore(%arg9 : memref<!tpu.dma_semaphore, #tpu.memory_space<semaphore_mem>>) src(%dma_wait3A_711 : memref<64x256xf32, #tpu.memory_space<hbm>>) dst(%arg5 : memref<64x256xf32, #tpu.memory_space<vmem>>)
      %ge3A_712 = arith.constant 2 : i32
      %ge3A_713 = arith.cmpi sge, %add3A_617, %ge3A_712 : i32
      %convert_element_type3A_714 = arith.extui %ge3A_713 : i1 to i32
      %cond3A_715 = arith.constant 0 : i32
      %cond3A_716 = arith.cmpi ne, %convert_element_type3A_714, %cond3A_715 : i32
      scf.if %cond3A_716 {
        %jit3A_890 = arith.constant 64 : i32
        %div3A_891 = arith.divsi %add3A_617, %jit3A_890 : i32
        %sign3A_892 = arith.constant 0 : i32
        %sign3A_893 = arith.cmpi sgt, %add3A_617, %sign3A_892 : i32
        %sign3A_894 = arith.extui %sign3A_893 : i1 to i32
        %sign3A_895 = arith.constant 0 : i32
        %sign3A_896 = arith.cmpi slt, %add3A_617, %sign3A_895 : i32
        %sign3A_897 = arith.extui %sign3A_896 : i1 to i32
        %sign3A_898 = arith.subi %sign3A_894, %sign3A_897 : i32
        %sign3A_899 = arith.constant 0 : i32
        %sign3A_900 = arith.cmpi sgt, %jit3A_890, %sign3A_899 : i32
        %sign3A_901 = arith.extui %sign3A_900 : i1 to i32
        %sign3A_902 = arith.constant 0 : i32
        %sign3A_903 = arith.cmpi slt, %jit3A_890, %sign3A_902 : i32
        %sign3A_904 = arith.extui %sign3A_903 : i1 to i32
        %sign3A_905 = arith.subi %sign3A_901, %sign3A_904 : i32
        %ne3A_906 = arith.cmpi ne, %sign3A_898, %sign3A_905 : i32
        %rem3A_907 = arith.remsi %add3A_617, %jit3A_890 : i32
        %ne3A_908 = arith.constant 0 : i32
        %ne3A_909 = arith.cmpi ne, %rem3A_907, %ne3A_908 : i32
        %and3A_910 = arith.andi %ne3A_906, %ne3A_909 : i1
        %sub3A_911 = arith.constant 1 : i32
        %sub3A_912 = arith.subi %div3A_891, %sub3A_911 : i32
        %select_n3A_913 = arith.select %and3A_910, %sub3A_912, %div3A_891 : i32
        %mul3A_914 = arith.constant 1 : i32
        %mul3A_915 = arith.muli %add3A, %mul3A_914 : i32
        %add3A_916 = arith.addi %mul3A_915, %select_n3A_913 : i32
        %jit3A_917 = arith.constant 8 : i32
        %div3A_918 = arith.divsi %add3A_916, %jit3A_917 : i32
        %sign3A_919 = arith.constant 0 : i32
        %sign3A_920 = arith.cmpi sgt, %add3A_916, %sign3A_919 : i32
        %sign3A_921 = arith.extui %sign3A_920 : i1 to i32
        %sign3A_922 = arith.constant 0 : i32
        %sign3A_923 = arith.cmpi slt, %add3A_916, %sign3A_922 : i32
        %sign3A_924 = arith.extui %sign3A_923 : i1 to i32
        %sign3A_925 = arith.subi %sign3A_921, %sign3A_924 : i32
        %sign3A_926 = arith.constant 0 : i32
        %sign3A_927 = arith.cmpi sgt, %jit3A_917, %sign3A_926 : i32
        %sign3A_928 = arith.extui %sign3A_927 : i1 to i32
        %sign3A_929 = arith.constant 0 : i32
        %sign3A_930 = arith.cmpi slt, %jit3A_917, %sign3A_929 : i32
        %sign3A_931 = arith.extui %sign3A_930 : i1 to i32
        %sign3A_932 = arith.subi %sign3A_928, %sign3A_931 : i32
        %ne3A_933 = arith.cmpi ne, %sign3A_925, %sign3A_932 : i32
        %rem3A_934 = arith.remsi %add3A_916, %jit3A_917 : i32
        %ne3A_935 = arith.constant 0 : i32
        %ne3A_936 = arith.cmpi ne, %rem3A_934, %ne3A_935 : i32
        %and3A_937 = arith.andi %ne3A_933, %ne3A_936 : i1
        %sub3A_938 = arith.constant 1 : i32
        %sub3A_939 = arith.subi %div3A_918, %sub3A_938 : i32
        %select_n3A_940 = arith.select %and3A_937, %sub3A_939, %div3A_918 : i32
        %jit3A_941 = arith.constant 8 : i32
        %eq3A_942 = arith.constant 0 : i32
        %eq3A_943 = arith.cmpi eq, %jit3A_941, %eq3A_942 : i32
        %jit3A_944 = arith.constant 1 : i32
        %select_n3A_945 = arith.select %eq3A_943, %jit3A_944, %jit3A_941 : i32
        %rem3A_946 = arith.remsi %add3A_916, %select_n3A_945 : i32
        %ne3A_947 = arith.constant 0 : i32
        %ne3A_948 = arith.cmpi ne, %rem3A_946, %ne3A_947 : i32
        %lt3A_949 = arith.constant 0 : i32
        %lt3A_950 = arith.cmpi slt, %rem3A_946, %lt3A_949 : i32
        %lt3A_951 = arith.constant 0 : i32
        %lt3A_952 = arith.cmpi slt, %select_n3A_945, %lt3A_951 : i32
        %ne3A_953 = arith.xori %lt3A_950, %lt3A_952 : i1
        %and3A_954 = arith.andi %ne3A_953, %ne3A_948 : i1
        %add3A_955 = arith.addi %rem3A_946, %select_n3A_945 : i32
        %select_n3A_956 = arith.select %and3A_954, %add3A_955, %rem3A_946 : i32
        %mul3A_957 = arith.constant 256 : i32
        %mul3A_958 = arith.muli %select_n3A_956, %mul3A_957 : i32
        %multiple_of3A_959 = tpu.assume_multiple %mul3A_958, 256 : i32
        %mul3A_960 = arith.constant 4096 : i32
        %mul3A_961 = arith.muli %select_n3A_940, %mul3A_960 : i32
        %jit3A_962 = arith.constant 64 : i32
        %eq3A_963 = arith.constant 0 : i32
        %eq3A_964 = arith.cmpi eq, %jit3A_962, %eq3A_963 : i32
        %jit3A_965 = arith.constant 1 : i32
        %select_n3A_966 = arith.select %eq3A_964, %jit3A_965, %jit3A_962 : i32
        %rem3A_967 = arith.remsi %add3A_617, %select_n3A_966 : i32
        %ne3A_968 = arith.constant 0 : i32
        %ne3A_969 = arith.cmpi ne, %rem3A_967, %ne3A_968 : i32
        %lt3A_970 = arith.constant 0 : i32
        %lt3A_971 = arith.cmpi slt, %rem3A_967, %lt3A_970 : i32
        %lt3A_972 = arith.constant 0 : i32
        %lt3A_973 = arith.cmpi slt, %select_n3A_966, %lt3A_972 : i32
        %ne3A_974 = arith.xori %lt3A_971, %lt3A_973 : i1
        %and3A_975 = arith.andi %ne3A_974, %ne3A_969 : i1
        %add3A_976 = arith.addi %rem3A_967, %select_n3A_966 : i32
        %select_n3A_977 = arith.select %and3A_975, %add3A_976, %rem3A_967 : i32
        %mul3A_978 = arith.constant 64 : i32
        %mul3A_979 = arith.muli %select_n3A_977, %mul3A_978 : i32
        %add3A_980 = arith.addi %mul3A_961, %mul3A_979 : i32
        %multiple_of3A_981 = tpu.assume_multiple %add3A_980, 64 : i32
        %dma_wait3A_982 = tpu.memref_slice %arg3[%multiple_of3A_981, %multiple_of3A_959] : memref<16384x2048xf32, #tpu.memory_space<hbm>> -> memref<64x256xf32, #tpu.memory_space<hbm>>
        %dma_wait3A_983 = tpu.memref_slice %arg3[%multiple_of3A_981, %multiple_of3A_959] : memref<16384x2048xf32, #tpu.memory_space<hbm>> -> memref<64x256xf32, #tpu.memory_space<hbm>>
        tpu.wait_dma2 semaphore(%arg11 : memref<!tpu.dma_semaphore, #tpu.memory_space<semaphore_mem>>) src(%arg7 : memref<64x256xf32, #tpu.memory_space<vmem>>) dst(%dma_wait3A_983 : memref<64x256xf32, #tpu.memory_space<hbm>>)
      } else {
      }
      %jit3A_717 = arith.constant 64 : i32
      %eq3A_718 = arith.constant 0 : i32
      %eq3A_719 = arith.cmpi eq, %jit3A_717, %eq3A_718 : i32
      %jit3A_720 = arith.constant 1 : i32
      %select_n3A_721 = arith.select %eq3A_719, %jit3A_720, %jit3A_717 : i32
      %rem3A_722 = arith.remsi %add3A_617, %select_n3A_721 : i32
      %ne3A_723 = arith.constant 0 : i32
      %ne3A_724 = arith.cmpi ne, %rem3A_722, %ne3A_723 : i32
      %lt3A_725 = arith.constant 0 : i32
      %lt3A_726 = arith.cmpi slt, %rem3A_722, %lt3A_725 : i32
      %lt3A_727 = arith.constant 0 : i32
      %lt3A_728 = arith.cmpi slt, %select_n3A_721, %lt3A_727 : i32
      %ne3A_729 = arith.xori %lt3A_726, %lt3A_728 : i1
      %and3A_730 = arith.andi %ne3A_729, %ne3A_724 : i1
      %add3A_731 = arith.addi %rem3A_722, %select_n3A_721 : i32
      %select_n3A_732 = arith.select %and3A_730, %add3A_731, %rem3A_722 : i32
      %eq3A_733 = arith.constant 0 : i32
      %eq3A_734 = arith.cmpi eq, %select_n3A_732, %eq3A_733 : i32
      %broadcast_in_dim3A_735 = arith.constant 0.000000e+00 : f32
      %broadcast_in_dim3A_736 = vector.broadcast %broadcast_in_dim3A_735 : f32 to vector<16xf32>
      %select_n3A_737 = arith.select %eq3A_734, %broadcast_in_dim3A_736, %scan3A_511#0 : vector<16xf32>
      %broadcast_in_dim3A_738 = arith.constant 0.000000e+00 : f32
      %broadcast_in_dim3A_739 = vector.broadcast %broadcast_in_dim3A_738 : f32 to vector<16xf32>
      %select_n3A_740 = arith.select %eq3A_734, %broadcast_in_dim3A_739, %scan3A_511#1 : vector<16xf32>
      %broadcast_in_dim3A_741 = arith.constant 0.000000e+00 : f32
      %broadcast_in_dim3A_742 = vector.broadcast %broadcast_in_dim3A_741 : f32 to vector<16xf32>
      %select_n3A_743 = arith.select %eq3A_734, %broadcast_in_dim3A_742, %scan3A_511#2 : vector<16xf32>
      %broadcast_in_dim3A_744 = arith.constant 0.000000e+00 : f32
      %broadcast_in_dim3A_745 = vector.broadcast %broadcast_in_dim3A_744 : f32 to vector<16xf32>
      %select_n3A_746 = arith.select %eq3A_734, %broadcast_in_dim3A_745, %scan3A_511#3 : vector<16xf32>
      %broadcast_in_dim3A_747 = arith.constant 0.000000e+00 : f32
      %broadcast_in_dim3A_748 = vector.broadcast %broadcast_in_dim3A_747 : f32 to vector<16xf32>
      %select_n3A_749 = arith.select %eq3A_734, %broadcast_in_dim3A_748, %scan3A_511#4 : vector<16xf32>
      %broadcast_in_dim3A_750 = arith.constant 0.000000e+00 : f32
      %broadcast_in_dim3A_751 = vector.broadcast %broadcast_in_dim3A_750 : f32 to vector<16xf32>
      %select_n3A_752 = arith.select %eq3A_734, %broadcast_in_dim3A_751, %scan3A_511#5 : vector<16xf32>
      %broadcast_in_dim3A_753 = arith.constant 0.000000e+00 : f32
      %broadcast_in_dim3A_754 = vector.broadcast %broadcast_in_dim3A_753 : f32 to vector<16xf32>
      %select_n3A_755 = arith.select %eq3A_734, %broadcast_in_dim3A_754, %scan3A_511#6 : vector<16xf32>
      %broadcast_in_dim3A_756 = arith.constant 0.000000e+00 : f32
      %broadcast_in_dim3A_757 = vector.broadcast %broadcast_in_dim3A_756 : f32 to vector<16xf32>
      %select_n3A_758 = arith.select %eq3A_734, %broadcast_in_dim3A_757, %scan3A_511#7 : vector<16xf32>
      %broadcast_in_dim3A_759 = arith.constant 0.000000e+00 : f32
      %broadcast_in_dim3A_760 = vector.broadcast %broadcast_in_dim3A_759 : f32 to vector<16xf32>
      %select_n3A_761 = arith.select %eq3A_734, %broadcast_in_dim3A_760, %scan3A_511#8 : vector<16xf32>
      %broadcast_in_dim3A_762 = arith.constant 0.000000e+00 : f32
      %broadcast_in_dim3A_763 = vector.broadcast %broadcast_in_dim3A_762 : f32 to vector<16xf32>
      %select_n3A_764 = arith.select %eq3A_734, %broadcast_in_dim3A_763, %scan3A_511#9 : vector<16xf32>
      %broadcast_in_dim3A_765 = arith.constant 0.000000e+00 : f32
      %broadcast_in_dim3A_766 = vector.broadcast %broadcast_in_dim3A_765 : f32 to vector<16xf32>
      %select_n3A_767 = arith.select %eq3A_734, %broadcast_in_dim3A_766, %scan3A_511#10 : vector<16xf32>
      %broadcast_in_dim3A_768 = arith.constant 0.000000e+00 : f32
      %broadcast_in_dim3A_769 = vector.broadcast %broadcast_in_dim3A_768 : f32 to vector<16xf32>
      %select_n3A_770 = arith.select %eq3A_734, %broadcast_in_dim3A_769, %scan3A_511#11 : vector<16xf32>
      %broadcast_in_dim3A_771 = arith.constant 0.000000e+00 : f32
      %broadcast_in_dim3A_772 = vector.broadcast %broadcast_in_dim3A_771 : f32 to vector<16xf32>
      %select_n3A_773 = arith.select %eq3A_734, %broadcast_in_dim3A_772, %scan3A_511#12 : vector<16xf32>
      %broadcast_in_dim3A_774 = arith.constant 0.000000e+00 : f32
      %broadcast_in_dim3A_775 = vector.broadcast %broadcast_in_dim3A_774 : f32 to vector<16xf32>
      %select_n3A_776 = arith.select %eq3A_734, %broadcast_in_dim3A_775, %scan3A_511#13 : vector<16xf32>
      %broadcast_in_dim3A_777 = arith.constant 0.000000e+00 : f32
      %broadcast_in_dim3A_778 = vector.broadcast %broadcast_in_dim3A_777 : f32 to vector<16xf32>
      %select_n3A_779 = arith.select %eq3A_734, %broadcast_in_dim3A_778, %scan3A_511#14 : vector<16xf32>
      %broadcast_in_dim3A_780 = arith.constant 0.000000e+00 : f32
      %broadcast_in_dim3A_781 = vector.broadcast %broadcast_in_dim3A_780 : f32 to vector<16xf32>
      %select_n3A_782 = arith.select %eq3A_734, %broadcast_in_dim3A_781, %scan3A_511#15 : vector<16xf32>
      %scan3A_783 = arith.constant 0 : i32
      %scan3A_784 = arith.constant 64 : i32
      %scan3A_785 = arith.addi %scan3A_783, %scan3A_784 : i32
      %scan3A_786 = arith.constant 1 : i32
      %scan3A_787:16 = scf.for %scan3A_890 = %scan3A_783 to %scan3A_785 step %scan3A_786 iter_args(%scan3A_891 = %select_n3A_737, %scan3A_892 = %select_n3A_740, %scan3A_893 = %select_n3A_743, %scan3A_894 = %select_n3A_746, %scan3A_895 = %select_n3A_749, %scan3A_896 = %select_n3A_752, %scan3A_897 = %select_n3A_755, %scan3A_898 = %select_n3A_758, %scan3A_899 = %select_n3A_761, %scan3A_900 = %select_n3A_764, %scan3A_901 = %select_n3A_767, %scan3A_902 = %select_n3A_770, %scan3A_903 = %select_n3A_773, %scan3A_904 = %select_n3A_776, %scan3A_905 = %select_n3A_779, %scan3A_906 = %select_n3A_782) -> (vector<16xf32>, vector<16xf32>, vector<16xf32>, vector<16xf32>, vector<16xf32>, vector<16xf32>, vector<16xf32>, vector<16xf32>, vector<16xf32>, vector<16xf32>, vector<16xf32>, vector<16xf32>, vector<16xf32>, vector<16xf32>, vector<16xf32>, vector<16xf32>)  : i32 {
        %get3A = arith.index_cast %scan3A_890 : i32 to index
        %get3A_907 = arith.constant 0 : index
        %get3A_908 = tpu.vector_load %arg5[%get3A, %get3A_907] {strides = array<i32>} : memref<64x256xf32, #tpu.memory_space<vmem>>, vector<1x16xf32>,
        %get3A_909 = vector.shape_cast %get3A_908 : vector<1x16xf32> to vector<16xf32>
        %add3A_910 = arith.addf %scan3A_891, %get3A_909 : vector<16xf32>
        %swap3A = arith.index_cast %scan3A_890 : i32 to index
        %swap3A_911 = arith.constant 0 : index
        %swap3A_912 = tpu.vector_load %arg7[%swap3A, %swap3A_911] {strides = array<i32>} : memref<64x256xf32, #tpu.memory_space<vmem>>, vector<1x16xf32>,
        %swap3A_913 = vector.shape_cast %swap3A_912 : vector<1x16xf32> to vector<16xf32>
        %swap3A_914 = vector.shape_cast %add3A_910 : vector<16xf32> to vector<1x16xf32>
        tpu.vector_store %arg7[%swap3A, %swap3A_911], %swap3A_914 {strides = array<i32>} : memref<64x256xf32, #tpu.memory_space<vmem>>, vector<1x16xf32>,
        %get3A_915 = arith.index_cast %scan3A_890 : i32 to index
        %get3A_916 = arith.constant 16 : index
        %get3A_917 = tpu.vector_load %arg5[%get3A_915, %get3A_916] {strides = array<i32>} : memref<64x256xf32, #tpu.memory_space<vmem>>, vector<1x16xf32>,
        %get3A_918 = vector.shape_cast %get3A_917 : vector<1x16xf32> to vector<16xf32>
        %add3A_919 = arith.addf %scan3A_892, %get3A_918 : vector<16xf32>
        %swap3A_920 = arith.index_cast %scan3A_890 : i32 to index
        %swap3A_921 = arith.constant 16 : index
        %swap3A_922 = tpu.vector_load %arg7[%swap3A_920, %swap3A_921] {strides = array<i32>} : memref<64x256xf32, #tpu.memory_space<vmem>>, vector<1x16xf32>,
        %swap3A_923 = vector.shape_cast %swap3A_922 : vector<1x16xf32> to vector<16xf32>
        %swap3A_924 = vector.shape_cast %add3A_919 : vector<16xf32> to vector<1x16xf32>
        tpu.vector_store %arg7[%swap3A_920, %swap3A_921], %swap3A_924 {strides = array<i32>} : memref<64x256xf32, #tpu.memory_space<vmem>>, vector<1x16xf32>,
        %get3A_925 = arith.index_cast %scan3A_890 : i32 to index
        %get3A_926 = arith.constant 32 : index
        %get3A_927 = tpu.vector_load %arg5[%get3A_925, %get3A_926] {strides = array<i32>} : memref<64x256xf32, #tpu.memory_space<vmem>>, vector<1x16xf32>,
        %get3A_928 = vector.shape_cast %get3A_927 : vector<1x16xf32> to vector<16xf32>
        %add3A_929 = arith.addf %scan3A_893, %get3A_928 : vector<16xf32>
        %swap3A_930 = arith.index_cast %scan3A_890 : i32 to index
        %swap3A_931 = arith.constant 32 : index
        %swap3A_932 = tpu.vector_load %arg7[%swap3A_930, %swap3A_931] {strides = array<i32>} : memref<64x256xf32, #tpu.memory_space<vmem>>, vector<1x16xf32>,
        %swap3A_933 = vector.shape_cast %swap3A_932 : vector<1x16xf32> to vector<16xf32>
        %swap3A_934 = vector.shape_cast %add3A_929 : vector<16xf32> to vector<1x16xf32>
        tpu.vector_store %arg7[%swap3A_930, %swap3A_931], %swap3A_934 {strides = array<i32>} : memref<64x256xf32, #tpu.memory_space<vmem>>, vector<1x16xf32>,
        %get3A_935 = arith.index_cast %scan3A_890 : i32 to index
        %get3A_936 = arith.constant 48 : index
        %get3A_937 = tpu.vector_load %arg5[%get3A_935, %get3A_936] {strides = array<i32>} : memref<64x256xf32, #tpu.memory_space<vmem>>, vector<1x16xf32>,
        %get3A_938 = vector.shape_cast %get3A_937 : vector<1x16xf32> to vector<16xf32>
        %add3A_939 = arith.addf %scan3A_894, %get3A_938 : vector<16xf32>
        %swap3A_940 = arith.index_cast %scan3A_890 : i32 to index
        %swap3A_941 = arith.constant 48 : index
        %swap3A_942 = tpu.vector_load %arg7[%swap3A_940, %swap3A_941] {strides = array<i32>} : memref<64x256xf32, #tpu.memory_space<vmem>>, vector<1x16xf32>,
        %swap3A_943 = vector.shape_cast %swap3A_942 : vector<1x16xf32> to vector<16xf32>
        %swap3A_944 = vector.shape_cast %add3A_939 : vector<16xf32> to vector<1x16xf32>
        tpu.vector_store %arg7[%swap3A_940, %swap3A_941], %swap3A_944 {strides = array<i32>} : memref<64x256xf32, #tpu.memory_space<vmem>>, vector<1x16xf32>,
        %get3A_945 = arith.index_cast %scan3A_890 : i32 to index
        %get3A_946 = arith.constant 64 : index
        %get3A_947 = tpu.vector_load %arg5[%get3A_945, %get3A_946] {strides = array<i32>} : memref<64x256xf32, #tpu.memory_space<vmem>>, vector<1x16xf32>,
        %get3A_948 = vector.shape_cast %get3A_947 : vector<1x16xf32> to vector<16xf32>
        %add3A_949 = arith.addf %scan3A_895, %get3A_948 : vector<16xf32>
        %swap3A_950 = arith.index_cast %scan3A_890 : i32 to index
        %swap3A_951 = arith.constant 64 : index
        %swap3A_952 = tpu.vector_load %arg7[%swap3A_950, %swap3A_951] {strides = array<i32>} : memref<64x256xf32, #tpu.memory_space<vmem>>, vector<1x16xf32>,
        %swap3A_953 = vector.shape_cast %swap3A_952 : vector<1x16xf32> to vector<16xf32>
        %swap3A_954 = vector.shape_cast %add3A_949 : vector<16xf32> to vector<1x16xf32>
        tpu.vector_store %arg7[%swap3A_950, %swap3A_951], %swap3A_954 {strides = array<i32>} : memref<64x256xf32, #tpu.memory_space<vmem>>, vector<1x16xf32>,
        %get3A_955 = arith.index_cast %scan3A_890 : i32 to index
        %get3A_956 = arith.constant 80 : index
        %get3A_957 = tpu.vector_load %arg5[%get3A_955, %get3A_956] {strides = array<i32>} : memref<64x256xf32, #tpu.memory_space<vmem>>, vector<1x16xf32>,
        %get3A_958 = vector.shape_cast %get3A_957 : vector<1x16xf32> to vector<16xf32>
        %add3A_959 = arith.addf %scan3A_896, %get3A_958 : vector<16xf32>
        %swap3A_960 = arith.index_cast %scan3A_890 : i32 to index
        %swap3A_961 = arith.constant 80 : index
        %swap3A_962 = tpu.vector_load %arg7[%swap3A_960, %swap3A_961] {strides = array<i32>} : memref<64x256xf32, #tpu.memory_space<vmem>>, vector<1x16xf32>,
        %swap3A_963 = vector.shape_cast %swap3A_962 : vector<1x16xf32> to vector<16xf32>
        %swap3A_964 = vector.shape_cast %add3A_959 : vector<16xf32> to vector<1x16xf32>
        tpu.vector_store %arg7[%swap3A_960, %swap3A_961], %swap3A_964 {strides = array<i32>} : memref<64x256xf32, #tpu.memory_space<vmem>>, vector<1x16xf32>,
        %get3A_965 = arith.index_cast %scan3A_890 : i32 to index
        %get3A_966 = arith.constant 96 : index
        %get3A_967 = tpu.vector_load %arg5[%get3A_965, %get3A_966] {strides = array<i32>} : memref<64x256xf32, #tpu.memory_space<vmem>>, vector<1x16xf32>,
        %get3A_968 = vector.shape_cast %get3A_967 : vector<1x16xf32> to vector<16xf32>
        %add3A_969 = arith.addf %scan3A_897, %get3A_968 : vector<16xf32>
        %swap3A_970 = arith.index_cast %scan3A_890 : i32 to index
        %swap3A_971 = arith.constant 96 : index
        %swap3A_972 = tpu.vector_load %arg7[%swap3A_970, %swap3A_971] {strides = array<i32>} : memref<64x256xf32, #tpu.memory_space<vmem>>, vector<1x16xf32>,
        %swap3A_973 = vector.shape_cast %swap3A_972 : vector<1x16xf32> to vector<16xf32>
        %swap3A_974 = vector.shape_cast %add3A_969 : vector<16xf32> to vector<1x16xf32>
        tpu.vector_store %arg7[%swap3A_970, %swap3A_971], %swap3A_974 {strides = array<i32>} : memref<64x256xf32, #tpu.memory_space<vmem>>, vector<1x16xf32>,
        %get3A_975 = arith.index_cast %scan3A_890 : i32 to index
        %get3A_976 = arith.constant 112 : index
        %get3A_977 = tpu.vector_load %arg5[%get3A_975, %get3A_976] {strides = array<i32>} : memref<64x256xf32, #tpu.memory_space<vmem>>, vector<1x16xf32>,
        %get3A_978 = vector.shape_cast %get3A_977 : vector<1x16xf32> to vector<16xf32>
        %add3A_979 = arith.addf %scan3A_898, %get3A_978 : vector<16xf32>
        %swap3A_980 = arith.index_cast %scan3A_890 : i32 to index
        %swap3A_981 = arith.constant 112 : index
        %swap3A_982 = tpu.vector_load %arg7[%swap3A_980, %swap3A_981] {strides = array<i32>} : memref<64x256xf32, #tpu.memory_space<vmem>>, vector<1x16xf32>,
        %swap3A_983 = vector.shape_cast %swap3A_982 : vector<1x16xf32> to vector<16xf32>
        %swap3A_984 = vector.shape_cast %add3A_979 : vector<16xf32> to vector<1x16xf32>
        tpu.vector_store %arg7[%swap3A_980, %swap3A_981], %swap3A_984 {strides = array<i32>} : memref<64x256xf32, #tpu.memory_space<vmem>>, vector<1x16xf32>,
        %get3A_985 = arith.index_cast %scan3A_890 : i32 to index
        %get3A_986 = arith.constant 128 : index
        %get3A_987 = tpu.vector_load %arg5[%get3A_985, %get3A_986] {strides = array<i32>} : memref<64x256xf32, #tpu.memory_space<vmem>>, vector<1x16xf32>,
        %get3A_988 = vector.shape_cast %get3A_987 : vector<1x16xf32> to vector<16xf32>
        %add3A_989 = arith.addf %scan3A_899, %get3A_988 : vector<16xf32>
        %swap3A_990 = arith.index_cast %scan3A_890 : i32 to index
        %swap3A_991 = arith.constant 128 : index
        %swap3A_992 = tpu.vector_load %arg7[%swap3A_990, %swap3A_991] {strides = array<i32>} : memref<64x256xf32, #tpu.memory_space<vmem>>, vector<1x16xf32>,
        %swap3A_993 = vector.shape_cast %swap3A_992 : vector<1x16xf32> to vector<16xf32>
        %swap3A_994 = vector.shape_cast %add3A_989 : vector<16xf32> to vector<1x16xf32>
        tpu.vector_store %arg7[%swap3A_990, %swap3A_991], %swap3A_994 {strides = array<i32>} : memref<64x256xf32, #tpu.memory_space<vmem>>, vector<1x16xf32>,
        %get3A_995 = arith.index_cast %scan3A_890 : i32 to index
        %get3A_996 = arith.constant 144 : index
        %get3A_997 = tpu.vector_load %arg5[%get3A_995, %get3A_996] {strides = array<i32>} : memref<64x256xf32, #tpu.memory_space<vmem>>, vector<1x16xf32>,
        %get3A_998 = vector.shape_cast %get3A_997 : vector<1x16xf32> to vector<16xf32>
        %add3A_999 = arith.addf %scan3A_900, %get3A_998 : vector<16xf32>
        %swap3A_1000 = arith.index_cast %scan3A_890 : i32 to index
        %swap3A_1001 = arith.constant 144 : index
        %swap3A_1002 = tpu.vector_load %arg7[%swap3A_1000, %swap3A_1001] {strides = array<i32>} : memref<64x256xf32, #tpu.memory_space<vmem>>, vector<1x16xf32>,
        %swap3A_1003 = vector.shape_cast %swap3A_1002 : vector<1x16xf32> to vector<16xf32>
        %swap3A_1004 = vector.shape_cast %add3A_999 : vector<16xf32> to vector<1x16xf32>
        tpu.vector_store %arg7[%swap3A_1000, %swap3A_1001], %swap3A_1004 {strides = array<i32>} : memref<64x256xf32, #tpu.memory_space<vmem>>, vector<1x16xf32>,
        %get3A_1005 = arith.index_cast %scan3A_890 : i32 to index
        %get3A_1006 = arith.constant 160 : index
        %get3A_1007 = tpu.vector_load %arg5[%get3A_1005, %get3A_1006] {strides = array<i32>} : memref<64x256xf32, #tpu.memory_space<vmem>>, vector<1x16xf32>,
        %get3A_1008 = vector.shape_cast %get3A_1007 : vector<1x16xf32> to vector<16xf32>
        %add3A_1009 = arith.addf %scan3A_901, %get3A_1008 : vector<16xf32>
        %swap3A_1010 = arith.index_cast %scan3A_890 : i32 to index
        %swap3A_1011 = arith.constant 160 : index
        %swap3A_1012 = tpu.vector_load %arg7[%swap3A_1010, %swap3A_1011] {strides = array<i32>} : memref<64x256xf32, #tpu.memory_space<vmem>>, vector<1x16xf32>,
        %swap3A_1013 = vector.shape_cast %swap3A_1012 : vector<1x16xf32> to vector<16xf32>
        %swap3A_1014 = vector.shape_cast %add3A_1009 : vector<16xf32> to vector<1x16xf32>
        tpu.vector_store %arg7[%swap3A_1010, %swap3A_1011], %swap3A_1014 {strides = array<i32>} : memref<64x256xf32, #tpu.memory_space<vmem>>, vector<1x16xf32>,
        %get3A_1015 = arith.index_cast %scan3A_890 : i32 to index
        %get3A_1016 = arith.constant 176 : index
        %get3A_1017 = tpu.vector_load %arg5[%get3A_1015, %get3A_1016] {strides = array<i32>} : memref<64x256xf32, #tpu.memory_space<vmem>>, vector<1x16xf32>,
        %get3A_1018 = vector.shape_cast %get3A_1017 : vector<1x16xf32> to vector<16xf32>
        %add3A_1019 = arith.addf %scan3A_902, %get3A_1018 : vector<16xf32>
        %swap3A_1020 = arith.index_cast %scan3A_890 : i32 to index
        %swap3A_1021 = arith.constant 176 : index
        %swap3A_1022 = tpu.vector_load %arg7[%swap3A_1020, %swap3A_1021] {strides = array<i32>} : memref<64x256xf32, #tpu.memory_space<vmem>>, vector<1x16xf32>,
        %swap3A_1023 = vector.shape_cast %swap3A_1022 : vector<1x16xf32> to vector<16xf32>
        %swap3A_1024 = vector.shape_cast %add3A_1019 : vector<16xf32> to vector<1x16xf32>
        tpu.vector_store %arg7[%swap3A_1020, %swap3A_1021], %swap3A_1024 {strides = array<i32>} : memref<64x256xf32, #tpu.memory_space<vmem>>, vector<1x16xf32>,
        %get3A_1025 = arith.index_cast %scan3A_890 : i32 to index
        %get3A_1026 = arith.constant 192 : index
        %get3A_1027 = tpu.vector_load %arg5[%get3A_1025, %get3A_1026] {strides = array<i32>} : memref<64x256xf32, #tpu.memory_space<vmem>>, vector<1x16xf32>,
        %get3A_1028 = vector.shape_cast %get3A_1027 : vector<1x16xf32> to vector<16xf32>
        %add3A_1029 = arith.addf %scan3A_903, %get3A_1028 : vector<16xf32>
        %swap3A_1030 = arith.index_cast %scan3A_890 : i32 to index
        %swap3A_1031 = arith.constant 192 : index
        %swap3A_1032 = tpu.vector_load %arg7[%swap3A_1030, %swap3A_1031] {strides = array<i32>} : memref<64x256xf32, #tpu.memory_space<vmem>>, vector<1x16xf32>,
        %swap3A_1033 = vector.shape_cast %swap3A_1032 : vector<1x16xf32> to vector<16xf32>
        %swap3A_1034 = vector.shape_cast %add3A_1029 : vector<16xf32> to vector<1x16xf32>
        tpu.vector_store %arg7[%swap3A_1030, %swap3A_1031], %swap3A_1034 {strides = array<i32>} : memref<64x256xf32, #tpu.memory_space<vmem>>, vector<1x16xf32>,
        %get3A_1035 = arith.index_cast %scan3A_890 : i32 to index
        %get3A_1036 = arith.constant 208 : index
        %get3A_1037 = tpu.vector_load %arg5[%get3A_1035, %get3A_1036] {strides = array<i32>} : memref<64x256xf32, #tpu.memory_space<vmem>>, vector<1x16xf32>,
        %get3A_1038 = vector.shape_cast %get3A_1037 : vector<1x16xf32> to vector<16xf32>
        %add3A_1039 = arith.addf %scan3A_904, %get3A_1038 : vector<16xf32>
        %swap3A_1040 = arith.index_cast %scan3A_890 : i32 to index
        %swap3A_1041 = arith.constant 208 : index
        %swap3A_1042 = tpu.vector_load %arg7[%swap3A_1040, %swap3A_1041] {strides = array<i32>} : memref<64x256xf32, #tpu.memory_space<vmem>>, vector<1x16xf32>,
        %swap3A_1043 = vector.shape_cast %swap3A_1042 : vector<1x16xf32> to vector<16xf32>
        %swap3A_1044 = vector.shape_cast %add3A_1039 : vector<16xf32> to vector<1x16xf32>
        tpu.vector_store %arg7[%swap3A_1040, %swap3A_1041], %swap3A_1044 {strides = array<i32>} : memref<64x256xf32, #tpu.memory_space<vmem>>, vector<1x16xf32>,
        %get3A_1045 = arith.index_cast %scan3A_890 : i32 to index
        %get3A_1046 = arith.constant 224 : index
        %get3A_1047 = tpu.vector_load %arg5[%get3A_1045, %get3A_1046] {strides = array<i32>} : memref<64x256xf32, #tpu.memory_space<vmem>>, vector<1x16xf32>,
        %get3A_1048 = vector.shape_cast %get3A_1047 : vector<1x16xf32> to vector<16xf32>
        %add3A_1049 = arith.addf %scan3A_905, %get3A_1048 : vector<16xf32>
        %swap3A_1050 = arith.index_cast %scan3A_890 : i32 to index
        %swap3A_1051 = arith.constant 224 : index
        %swap3A_1052 = tpu.vector_load %arg7[%swap3A_1050, %swap3A_1051] {strides = array<i32>} : memref<64x256xf32, #tpu.memory_space<vmem>>, vector<1x16xf32>,
        %swap3A_1053 = vector.shape_cast %swap3A_1052 : vector<1x16xf32> to vector<16xf32>
        %swap3A_1054 = vector.shape_cast %add3A_1049 : vector<16xf32> to vector<1x16xf32>
        tpu.vector_store %arg7[%swap3A_1050, %swap3A_1051], %swap3A_1054 {strides = array<i32>} : memref<64x256xf32, #tpu.memory_space<vmem>>, vector<1x16xf32>,
        %get3A_1055 = arith.index_cast %scan3A_890 : i32 to index
        %get3A_1056 = arith.constant 240 : index
        %get3A_1057 = tpu.vector_load %arg5[%get3A_1055, %get3A_1056] {strides = array<i32>} : memref<64x256xf32, #tpu.memory_space<vmem>>, vector<1x16xf32>,
        %get3A_1058 = vector.shape_cast %get3A_1057 : vector<1x16xf32> to vector<16xf32>
        %add3A_1059 = arith.addf %scan3A_906, %get3A_1058 : vector<16xf32>
        %swap3A_1060 = arith.index_cast %scan3A_890 : i32 to index
        %swap3A_1061 = arith.constant 240 : index
        %swap3A_1062 = tpu.vector_load %arg7[%swap3A_1060, %swap3A_1061] {strides = array<i32>} : memref<64x256xf32, #tpu.memory_space<vmem>>, vector<1x16xf32>,
        %swap3A_1063 = vector.shape_cast %swap3A_1062 : vector<1x16xf32> to vector<16xf32>
        %swap3A_1064 = vector.shape_cast %add3A_1059 : vector<16xf32> to vector<1x16xf32>
        tpu.vector_store %arg7[%swap3A_1060, %swap3A_1061], %swap3A_1064 {strides = array<i32>} : memref<64x256xf32, #tpu.memory_space<vmem>>, vector<1x16xf32>,
        scf.yield %add3A_910, %add3A_919, %add3A_929, %add3A_939, %add3A_949, %add3A_959, %add3A_969, %add3A_979, %add3A_989, %add3A_999, %add3A_1009, %add3A_1019, %add3A_1029, %add3A_1039, %add3A_1049, %add3A_1059 : vector<16xf32>, vector<16xf32>, vector<16xf32>, vector<16xf32>, vector<16xf32>, vector<16xf32>, vector<16xf32>, vector<16xf32>, vector<16xf32>, vector<16xf32>, vector<16xf32>, vector<16xf32>, vector<16xf32>, vector<16xf32>, vector<16xf32>, vector<16xf32>
      }
      %scan3A_788 = arith.constant 64 : i32
      %jit3A_789 = arith.constant 64 : i32
      %div3A_790 = arith.divsi %add3A_617, %jit3A_789 : i32
      %sign3A_791 = arith.constant 0 : i32
      %sign3A_792 = arith.cmpi sgt, %add3A_617, %sign3A_791 : i32
      %sign3A_793 = arith.extui %sign3A_792 : i1 to i32
      %sign3A_794 = arith.constant 0 : i32
      %sign3A_795 = arith.cmpi slt, %add3A_617, %sign3A_794 : i32
      %sign3A_796 = arith.extui %sign3A_795 : i1 to i32
      %sign3A_797 = arith.subi %sign3A_793, %sign3A_796 : i32
      %sign3A_798 = arith.constant 0 : i32
      %sign3A_799 = arith.cmpi sgt, %jit3A_789, %sign3A_798 : i32
      %sign3A_800 = arith.extui %sign3A_799 : i1 to i32
      %sign3A_801 = arith.constant 0 : i32
      %sign3A_802 = arith.cmpi slt, %jit3A_789, %sign3A_801 : i32
      %sign3A_803 = arith.extui %sign3A_802 : i1 to i32
      %sign3A_804 = arith.subi %sign3A_800, %sign3A_803 : i32
      %ne3A_805 = arith.cmpi ne, %sign3A_797, %sign3A_804 : i32
      %rem3A_806 = arith.remsi %add3A_617, %jit3A_789 : i32
      %ne3A_807 = arith.constant 0 : i32
      %ne3A_808 = arith.cmpi ne, %rem3A_806, %ne3A_807 : i32
      %and3A_809 = arith.andi %ne3A_805, %ne3A_808 : i1
      %sub3A_810 = arith.constant 1 : i32
      %sub3A_811 = arith.subi %div3A_790, %sub3A_810 : i32
      %select_n3A_812 = arith.select %and3A_809, %sub3A_811, %div3A_790 : i32
      %mul3A_813 = arith.constant 1 : i32
      %mul3A_814 = arith.muli %add3A, %mul3A_813 : i32
      %add3A_815 = arith.addi %mul3A_814, %select_n3A_812 : i32
      %jit3A_816 = arith.constant 8 : i32
      %div3A_817 = arith.divsi %add3A_815, %jit3A_816 : i32
      %sign3A_818 = arith.constant 0 : i32
      %sign3A_819 = arith.cmpi sgt, %add3A_815, %sign3A_818 : i32
      %sign3A_820 = arith.extui %sign3A_819 : i1 to i32
      %sign3A_821 = arith.constant 0 : i32
      %sign3A_822 = arith.cmpi slt, %add3A_815, %sign3A_821 : i32
      %sign3A_823 = arith.extui %sign3A_822 : i1 to i32
      %sign3A_824 = arith.subi %sign3A_820, %sign3A_823 : i32
      %sign3A_825 = arith.constant 0 : i32
      %sign3A_826 = arith.cmpi sgt, %jit3A_816, %sign3A_825 : i32
      %sign3A_827 = arith.extui %sign3A_826 : i1 to i32
      %sign3A_828 = arith.constant 0 : i32
      %sign3A_829 = arith.cmpi slt, %jit3A_816, %sign3A_828 : i32
      %sign3A_830 = arith.extui %sign3A_829 : i1 to i32
      %sign3A_831 = arith.subi %sign3A_827, %sign3A_830 : i32
      %ne3A_832 = arith.cmpi ne, %sign3A_824, %sign3A_831 : i32
      %rem3A_833 = arith.remsi %add3A_815, %jit3A_816 : i32
      %ne3A_834 = arith.constant 0 : i32
      %ne3A_835 = arith.cmpi ne, %rem3A_833, %ne3A_834 : i32
      %and3A_836 = arith.andi %ne3A_832, %ne3A_835 : i1
      %sub3A_837 = arith.constant 1 : i32
      %sub3A_838 = arith.subi %div3A_817, %sub3A_837 : i32
      %select_n3A_839 = arith.select %and3A_836, %sub3A_838, %div3A_817 : i32
      %jit3A_840 = arith.constant 8 : i32
      %eq3A_841 = arith.constant 0 : i32
      %eq3A_842 = arith.cmpi eq, %jit3A_840, %eq3A_841 : i32
      %jit3A_843 = arith.constant 1 : i32
      %select_n3A_844 = arith.select %eq3A_842, %jit3A_843, %jit3A_840 : i32
      %rem3A_845 = arith.remsi %add3A_815, %select_n3A_844 : i32
      %ne3A_846 = arith.constant 0 : i32
      %ne3A_847 = arith.cmpi ne, %rem3A_845, %ne3A_846 : i32
      %lt3A_848 = arith.constant 0 : i32
      %lt3A_849 = arith.cmpi slt, %rem3A_845, %lt3A_848 : i32
      %lt3A_850 = arith.constant 0 : i32
      %lt3A_851 = arith.cmpi slt, %select_n3A_844, %lt3A_850 : i32
      %ne3A_852 = arith.xori %lt3A_849, %lt3A_851 : i1
      %and3A_853 = arith.andi %ne3A_852, %ne3A_847 : i1
      %add3A_854 = arith.addi %rem3A_845, %select_n3A_844 : i32
      %select_n3A_855 = arith.select %and3A_853, %add3A_854, %rem3A_845 : i32
      %mul3A_856 = arith.constant 256 : i32
      %mul3A_857 = arith.muli %select_n3A_855, %mul3A_856 : i32
      %multiple_of3A_858 = tpu.assume_multiple %mul3A_857, 256 : i32
      %mul3A_859 = arith.constant 4096 : i32
      %mul3A_860 = arith.muli %select_n3A_839, %mul3A_859 : i32
      %jit3A_861 = arith.constant 64 : i32
      %eq3A_862 = arith.constant 0 : i32
      %eq3A_863 = arith.cmpi eq, %jit3A_861, %eq3A_862 : i32
      %jit3A_864 = arith.constant 1 : i32
      %select_n3A_865 = arith.select %eq3A_863, %jit3A_864, %jit3A_861 : i32
      %rem3A_866 = arith.remsi %add3A_617, %select_n3A_865 : i32
      %ne3A_867 = arith.constant 0 : i32
      %ne3A_868 = arith.cmpi ne, %rem3A_866, %ne3A_867 : i32
      %lt3A_869 = arith.constant 0 : i32
      %lt3A_870 = arith.cmpi slt, %rem3A_866, %lt3A_869 : i32
      %lt3A_871 = arith.constant 0 : i32
      %lt3A_872 = arith.cmpi slt, %select_n3A_865, %lt3A_871 : i32
      %ne3A_873 = arith.xori %lt3A_870, %lt3A_872 : i1
      %and3A_874 = arith.andi %ne3A_873, %ne3A_868 : i1
      %add3A_875 = arith.addi %rem3A_866, %select_n3A_865 : i32
      %select_n3A_876 = arith.select %and3A_874, %add3A_875, %rem3A_866 : i32
      %mul3A_877 = arith.constant 64 : i32
      %mul3A_878 = arith.muli %select_n3A_876, %mul3A_877 : i32
      %add3A_879 = arith.addi %mul3A_860, %mul3A_878 : i32
      %multiple_of3A_880 = tpu.assume_multiple %add3A_879, 64 : i32
      %dma_start3A_881 = tpu.memref_slice %arg3[%multiple_of3A_880, %multiple_of3A_858] : memref<16384x2048xf32, #tpu.memory_space<hbm>> -> memref<64x256xf32, #tpu.memory_space<hbm>>
      %dma_start3A_882 = tpu.memref_slice %arg3[%multiple_of3A_880, %multiple_of3A_858] : memref<16384x2048xf32, #tpu.memory_space<hbm>> -> memref<64x256xf32, #tpu.memory_space<hbm>>
      tpu.enqueue_dma source(%arg7 : memref<64x256xf32, #tpu.memory_space<vmem>>) target(%dma_start3A_882 : memref<64x256xf32, #tpu.memory_space<hbm>>) target_semaphore(%arg11 : memref<!tpu.dma_semaphore, #tpu.memory_space<semaphore_mem>>)
      %add3A_883 = arith.constant 2 : i32
      %add3A_884 = arith.addi %add3A_617, %add3A_883 : i32
      %lt3A_885 = arith.constant 64 : i32
      %lt3A_886 = arith.cmpi slt, %add3A_884, %lt3A_885 : i32
      %convert_element_type3A_887 = arith.extui %lt3A_886 : i1 to i32
      %cond3A_888 = arith.constant 0 : i32
      %cond3A_889 = arith.cmpi ne, %convert_element_type3A_887, %cond3A_888 : i32
      scf.if %cond3A_889 {
        %add3A_890 = arith.constant 2 : i32
        %add3A_891 = arith.addi %add3A_617, %add3A_890 : i32
        %jit3A_892 = arith.constant 64 : i32
        %div3A_893 = arith.divsi %add3A_891, %jit3A_892 : i32
        %sign3A_894 = arith.constant 0 : i32
        %sign3A_895 = arith.cmpi sgt, %add3A_891, %sign3A_894 : i32
        %sign3A_896 = arith.extui %sign3A_895 : i1 to i32
        %sign3A_897 = arith.constant 0 : i32
        %sign3A_898 = arith.cmpi slt, %add3A_891, %sign3A_897 : i32
        %sign3A_899 = arith.extui %sign3A_898 : i1 to i32
        %sign3A_900 = arith.subi %sign3A_896, %sign3A_899 : i32
        %sign3A_901 = arith.constant 0 : i32
        %sign3A_902 = arith.cmpi sgt, %jit3A_892, %sign3A_901 : i32
        %sign3A_903 = arith.extui %sign3A_902 : i1 to i32
        %sign3A_904 = arith.constant 0 : i32
        %sign3A_905 = arith.cmpi slt, %jit3A_892, %sign3A_904 : i32
        %sign3A_906 = arith.extui %sign3A_905 : i1 to i32
        %sign3A_907 = arith.subi %sign3A_903, %sign3A_906 : i32
        %ne3A_908 = arith.cmpi ne, %sign3A_900, %sign3A_907 : i32
        %rem3A_909 = arith.remsi %add3A_891, %jit3A_892 : i32
        %ne3A_910 = arith.constant 0 : i32
        %ne3A_911 = arith.cmpi ne, %rem3A_909, %ne3A_910 : i32
        %and3A_912 = arith.andi %ne3A_908, %ne3A_911 : i1
        %sub3A_913 = arith.constant 1 : i32
        %sub3A_914 = arith.subi %div3A_893, %sub3A_913 : i32
        %select_n3A_915 = arith.select %and3A_912, %sub3A_914, %div3A_893 : i32
        %mul3A_916 = arith.constant 1 : i32
        %mul3A_917 = arith.muli %add3A, %mul3A_916 : i32
        %add3A_918 = arith.addi %mul3A_917, %select_n3A_915 : i32
        %jit3A_919 = arith.constant 8 : i32
        %div3A_920 = arith.divsi %add3A_918, %jit3A_919 : i32
        %sign3A_921 = arith.constant 0 : i32
        %sign3A_922 = arith.cmpi sgt, %add3A_918, %sign3A_921 : i32
        %sign3A_923 = arith.extui %sign3A_922 : i1 to i32
        %sign3A_924 = arith.constant 0 : i32
        %sign3A_925 = arith.cmpi slt, %add3A_918, %sign3A_924 : i32
        %sign3A_926 = arith.extui %sign3A_925 : i1 to i32
        %sign3A_927 = arith.subi %sign3A_923, %sign3A_926 : i32
        %sign3A_928 = arith.constant 0 : i32
        %sign3A_929 = arith.cmpi sgt, %jit3A_919, %sign3A_928 : i32
        %sign3A_930 = arith.extui %sign3A_929 : i1 to i32
        %sign3A_931 = arith.constant 0 : i32
        %sign3A_932 = arith.cmpi slt, %jit3A_919, %sign3A_931 : i32
        %sign3A_933 = arith.extui %sign3A_932 : i1 to i32
        %sign3A_934 = arith.subi %sign3A_930, %sign3A_933 : i32
        %ne3A_935 = arith.cmpi ne, %sign3A_927, %sign3A_934 : i32
        %rem3A_936 = arith.remsi %add3A_918, %jit3A_919 : i32
        %ne3A_937 = arith.constant 0 : i32
        %ne3A_938 = arith.cmpi ne, %rem3A_936, %ne3A_937 : i32
        %and3A_939 = arith.andi %ne3A_935, %ne3A_938 : i1
        %sub3A_940 = arith.constant 1 : i32
        %sub3A_941 = arith.subi %div3A_920, %sub3A_940 : i32
        %select_n3A_942 = arith.select %and3A_939, %sub3A_941, %div3A_920 : i32
        %jit3A_943 = arith.constant 8 : i32
        %eq3A_944 = arith.constant 0 : i32
        %eq3A_945 = arith.cmpi eq, %jit3A_943, %eq3A_944 : i32
        %jit3A_946 = arith.constant 1 : i32
        %select_n3A_947 = arith.select %eq3A_945, %jit3A_946, %jit3A_943 : i32
        %rem3A_948 = arith.remsi %add3A_918, %select_n3A_947 : i32
        %ne3A_949 = arith.constant 0 : i32
        %ne3A_950 = arith.cmpi ne, %rem3A_948, %ne3A_949 : i32
        %lt3A_951 = arith.constant 0 : i32
        %lt3A_952 = arith.cmpi slt, %rem3A_948, %lt3A_951 : i32
        %lt3A_953 = arith.constant 0 : i32
        %lt3A_954 = arith.cmpi slt, %select_n3A_947, %lt3A_953 : i32
        %ne3A_955 = arith.xori %lt3A_952, %lt3A_954 : i1
        %and3A_956 = arith.andi %ne3A_955, %ne3A_950 : i1
        %add3A_957 = arith.addi %rem3A_948, %select_n3A_947 : i32
        %select_n3A_958 = arith.select %and3A_956, %add3A_957, %rem3A_948 : i32
        %mul3A_959 = arith.constant 256 : i32
        %mul3A_960 = arith.muli %select_n3A_958, %mul3A_959 : i32
        %multiple_of3A_961 = tpu.assume_multiple %mul3A_960, 256 : i32
        %mul3A_962 = arith.constant 4096 : i32
        %mul3A_963 = arith.muli %select_n3A_942, %mul3A_962 : i32
        %jit3A_964 = arith.constant 64 : i32
        %eq3A_965 = arith.constant 0 : i32
        %eq3A_966 = arith.cmpi eq, %jit3A_964, %eq3A_965 : i32
        %jit3A_967 = arith.constant 1 : i32
        %select_n3A_968 = arith.select %eq3A_966, %jit3A_967, %jit3A_964 : i32
        %rem3A_969 = arith.remsi %add3A_891, %select_n3A_968 : i32
        %ne3A_970 = arith.constant 0 : i32
        %ne3A_971 = arith.cmpi ne, %rem3A_969, %ne3A_970 : i32
        %lt3A_972 = arith.constant 0 : i32
        %lt3A_973 = arith.cmpi slt, %rem3A_969, %lt3A_972 : i32
        %lt3A_974 = arith.constant 0 : i32
        %lt3A_975 = arith.cmpi slt, %select_n3A_968, %lt3A_974 : i32
        %ne3A_976 = arith.xori %lt3A_973, %lt3A_975 : i1
        %and3A_977 = arith.andi %ne3A_976, %ne3A_971 : i1
        %add3A_978 = arith.addi %rem3A_969, %select_n3A_968 : i32
        %select_n3A_979 = arith.select %and3A_977, %add3A_978, %rem3A_969 : i32
        %mul3A_980 = arith.constant 64 : i32
        %mul3A_981 = arith.muli %select_n3A_979, %mul3A_980 : i32
        %add3A_982 = arith.addi %mul3A_963, %mul3A_981 : i32
        %multiple_of3A_983 = tpu.assume_multiple %add3A_982, 64 : i32
        %dma_start3A_984 = tpu.memref_slice %arg2[%multiple_of3A_983, %multiple_of3A_961] : memref<16384x2048xf32, #tpu.memory_space<hbm>> -> memref<64x256xf32, #tpu.memory_space<hbm>>
        %dma_start3A_985 = tpu.memref_slice %arg2[%multiple_of3A_983, %multiple_of3A_961] : memref<16384x2048xf32, #tpu.memory_space<hbm>> -> memref<64x256xf32, #tpu.memory_space<hbm>>
        tpu.enqueue_dma source(%dma_start3A_985 : memref<64x256xf32, #tpu.memory_space<hbm>>) target(%arg5 : memref<64x256xf32, #tpu.memory_space<vmem>>) target_semaphore(%arg9 : memref<!tpu.dma_semaphore, #tpu.memory_space<semaphore_mem>>)
      } else {
      }
      scf.yield %scan3A_787#0, %scan3A_787#1, %scan3A_787#2, %scan3A_787#3, %scan3A_787#4, %scan3A_787#5, %scan3A_787#6, %scan3A_787#7, %scan3A_787#8, %scan3A_787#9, %scan3A_787#10, %scan3A_787#11, %scan3A_787#12, %scan3A_787#13, %scan3A_787#14, %scan3A_787#15 : vector<16xf32>, vector<16xf32>, vector<16xf32>, vector<16xf32>, vector<16xf32>, vector<16xf32>, vector<16xf32>, vector<16xf32>, vector<16xf32>, vector<16xf32>, vector<16xf32>, vector<16xf32>, vector<16xf32>, vector<16xf32>, vector<16xf32>, vector<16xf32>
    }
    %scan3A_132 = arith.constant 32 : i32
    %jit3A_133 = arith.constant 62 : i32
    %jit3A_134 = arith.constant 64 : i32
    %div3A_135 = arith.divsi %jit3A_133, %jit3A_134 : i32
    %sign3A_136 = arith.constant 0 : i32
    %sign3A_137 = arith.cmpi sgt, %jit3A_133, %sign3A_136 : i32
    %sign3A_138 = arith.extui %sign3A_137 : i1 to i32
    %sign3A_139 = arith.constant 0 : i32
    %sign3A_140 = arith.cmpi slt, %jit3A_133, %sign3A_139 : i32
    %sign3A_141 = arith.extui %sign3A_140 : i1 to i32
    %sign3A_142 = arith.subi %sign3A_138, %sign3A_141 : i32
    %sign3A_143 = arith.constant 0 : i32
    %sign3A_144 = arith.cmpi sgt, %jit3A_134, %sign3A_143 : i32
    %sign3A_145 = arith.extui %sign3A_144 : i1 to i32
    %sign3A_146 = arith.constant 0 : i32
    %sign3A_147 = arith.cmpi slt, %jit3A_134, %sign3A_146 : i32
    %sign3A_148 = arith.extui %sign3A_147 : i1 to i32
    %sign3A_149 = arith.subi %sign3A_145, %sign3A_148 : i32
    %ne3A_150 = arith.cmpi ne, %sign3A_142, %sign3A_149 : i32
    %rem3A_151 = arith.remsi %jit3A_133, %jit3A_134 : i32
    %ne3A_152 = arith.constant 0 : i32
    %ne3A_153 = arith.cmpi ne, %rem3A_151, %ne3A_152 : i32
    %and3A_154 = arith.andi %ne3A_150, %ne3A_153 : i1
    %sub3A_155 = arith.constant 1 : i32
    %sub3A_156 = arith.subi %div3A_135, %sub3A_155 : i32
    %select_n3A_157 = arith.select %and3A_154, %sub3A_156, %div3A_135 : i32
    %mul3A_158 = arith.constant 1 : i32
    %mul3A_159 = arith.muli %add3A, %mul3A_158 : i32
    %add3A_160 = arith.addi %mul3A_159, %select_n3A_157 : i32
    %jit3A_161 = arith.constant 8 : i32
    %div3A_162 = arith.divsi %add3A_160, %jit3A_161 : i32
    %sign3A_163 = arith.constant 0 : i32
    %sign3A_164 = arith.cmpi sgt, %add3A_160, %sign3A_163 : i32
    %sign3A_165 = arith.extui %sign3A_164 : i1 to i32
    %sign3A_166 = arith.constant 0 : i32
    %sign3A_167 = arith.cmpi slt, %add3A_160, %sign3A_166 : i32
    %sign3A_168 = arith.extui %sign3A_167 : i1 to i32
    %sign3A_169 = arith.subi %sign3A_165, %sign3A_168 : i32
    %sign3A_170 = arith.constant 0 : i32
    %sign3A_171 = arith.cmpi sgt, %jit3A_161, %sign3A_170 : i32
    %sign3A_172 = arith.extui %sign3A_171 : i1 to i32
    %sign3A_173 = arith.constant 0 : i32
    %sign3A_174 = arith.cmpi slt, %jit3A_161, %sign3A_173 : i32
    %sign3A_175 = arith.extui %sign3A_174 : i1 to i32
    %sign3A_176 = arith.subi %sign3A_172, %sign3A_175 : i32
    %ne3A_177 = arith.cmpi ne, %sign3A_169, %sign3A_176 : i32
    %rem3A_178 = arith.remsi %add3A_160, %jit3A_161 : i32
    %ne3A_179 = arith.constant 0 : i32
    %ne3A_180 = arith.cmpi ne, %rem3A_178, %ne3A_179 : i32
    %and3A_181 = arith.andi %ne3A_177, %ne3A_180 : i1
    %sub3A_182 = arith.constant 1 : i32
    %sub3A_183 = arith.subi %div3A_162, %sub3A_182 : i32
    %select_n3A_184 = arith.select %and3A_181, %sub3A_183, %div3A_162 : i32
    %jit3A_185 = arith.constant 8 : i32
    %eq3A_186 = arith.constant 0 : i32
    %eq3A_187 = arith.cmpi eq, %jit3A_185, %eq3A_186 : i32
    %jit3A_188 = arith.constant 1 : i32
    %select_n3A_189 = arith.select %eq3A_187, %jit3A_188, %jit3A_185 : i32
    %rem3A_190 = arith.remsi %add3A_160, %select_n3A_189 : i32
    %ne3A_191 = arith.constant 0 : i32
    %ne3A_192 = arith.cmpi ne, %rem3A_190, %ne3A_191 : i32
    %lt3A_193 = arith.constant 0 : i32
    %lt3A_194 = arith.cmpi slt, %rem3A_190, %lt3A_193 : i32
    %lt3A_195 = arith.constant 0 : i32
    %lt3A_196 = arith.cmpi slt, %select_n3A_189, %lt3A_195 : i32
    %ne3A_197 = arith.xori %lt3A_194, %lt3A_196 : i1
    %and3A_198 = arith.andi %ne3A_197, %ne3A_192 : i1
    %add3A_199 = arith.addi %rem3A_190, %select_n3A_189 : i32
    %select_n3A_200 = arith.select %and3A_198, %add3A_199, %rem3A_190 : i32
    %mul3A_201 = arith.constant 256 : i32
    %mul3A_202 = arith.muli %select_n3A_200, %mul3A_201 : i32
    %multiple_of3A_203 = tpu.assume_multiple %mul3A_202, 256 : i32
    %mul3A_204 = arith.constant 4096 : i32
    %mul3A_205 = arith.muli %select_n3A_184, %mul3A_204 : i32
    %jit3A_206 = arith.constant 62 : i32
    %jit3A_207 = arith.constant 64 : i32
    %eq3A_208 = arith.constant 0 : i32
    %eq3A_209 = arith.cmpi eq, %jit3A_207, %eq3A_208 : i32
    %jit3A_210 = arith.constant 1 : i32
    %select_n3A_211 = arith.select %eq3A_209, %jit3A_210, %jit3A_207 : i32
    %rem3A_212 = arith.remsi %jit3A_206, %select_n3A_211 : i32
    %ne3A_213 = arith.constant 0 : i32
    %ne3A_214 = arith.cmpi ne, %rem3A_212, %ne3A_213 : i32
    %lt3A_215 = arith.constant 0 : i32
    %lt3A_216 = arith.cmpi slt, %rem3A_212, %lt3A_215 : i32
    %lt3A_217 = arith.constant 0 : i32
    %lt3A_218 = arith.cmpi slt, %select_n3A_211, %lt3A_217 : i32
    %ne3A_219 = arith.xori %lt3A_216, %lt3A_218 : i1
    %and3A_220 = arith.andi %ne3A_219, %ne3A_214 : i1
    %add3A_221 = arith.addi %rem3A_212, %select_n3A_211 : i32
    %select_n3A_222 = arith.select %and3A_220, %add3A_221, %rem3A_212 : i32
    %mul3A_223 = arith.constant 64 : i32
    %mul3A_224 = arith.muli %select_n3A_222, %mul3A_223 : i32
    %add3A_225 = arith.addi %mul3A_205, %mul3A_224 : i32
    %multiple_of3A_226 = tpu.assume_multiple %add3A_225, 64 : i32
    %dma_wait3A = tpu.memref_slice %arg3[%multiple_of3A_226, %multiple_of3A_203] : memref<16384x2048xf32, #tpu.memory_space<hbm>> -> memref<64x256xf32, #tpu.memory_space<hbm>>
    %dma_wait3A_227 = tpu.memref_slice %arg3[%multiple_of3A_226, %multiple_of3A_203] : memref<16384x2048xf32, #tpu.memory_space<hbm>> -> memref<64x256xf32, #tpu.memory_space<hbm>>
    tpu.wait_dma2 semaphore(%arg10 : memref<!tpu.dma_semaphore, #tpu.memory_space<semaphore_mem>>) src(%arg6 : memref<64x256xf32, #tpu.memory_space<vmem>>) dst(%dma_wait3A_227 : memref<64x256xf32, #tpu.memory_space<hbm>>)
    %jit3A_228 = arith.constant 63 : i32
    %jit3A_229 = arith.constant 64 : i32
    %div3A_230 = arith.divsi %jit3A_228, %jit3A_229 : i32
    %sign3A_231 = arith.constant 0 : i32
    %sign3A_232 = arith.cmpi sgt, %jit3A_228, %sign3A_231 : i32
    %sign3A_233 = arith.extui %sign3A_232 : i1 to i32
    %sign3A_234 = arith.constant 0 : i32
    %sign3A_235 = arith.cmpi slt, %jit3A_228, %sign3A_234 : i32
    %sign3A_236 = arith.extui %sign3A_235 : i1 to i32
    %sign3A_237 = arith.subi %sign3A_233, %sign3A_236 : i32
    %sign3A_238 = arith.constant 0 : i32
    %sign3A_239 = arith.cmpi sgt, %jit3A_229, %sign3A_238 : i32
    %sign3A_240 = arith.extui %sign3A_239 : i1 to i32
    %sign3A_241 = arith.constant 0 : i32
    %sign3A_242 = arith.cmpi slt, %jit3A_229, %sign3A_241 : i32
    %sign3A_243 = arith.extui %sign3A_242 : i1 to i32
    %sign3A_244 = arith.subi %sign3A_240, %sign3A_243 : i32
    %ne3A_245 = arith.cmpi ne, %sign3A_237, %sign3A_244 : i32
    %rem3A_246 = arith.remsi %jit3A_228, %jit3A_229 : i32
    %ne3A_247 = arith.constant 0 : i32
    %ne3A_248 = arith.cmpi ne, %rem3A_246, %ne3A_247 : i32
    %and3A_249 = arith.andi %ne3A_245, %ne3A_248 : i1
    %sub3A_250 = arith.constant 1 : i32
    %sub3A_251 = arith.subi %div3A_230, %sub3A_250 : i32
    %select_n3A_252 = arith.select %and3A_249, %sub3A_251, %div3A_230 : i32
    %mul3A_253 = arith.constant 1 : i32
    %mul3A_254 = arith.muli %add3A, %mul3A_253 : i32
    %add3A_255 = arith.addi %mul3A_254, %select_n3A_252 : i32
    %jit3A_256 = arith.constant 8 : i32
    %div3A_257 = arith.divsi %add3A_255, %jit3A_256 : i32
    %sign3A_258 = arith.constant 0 : i32
    %sign3A_259 = arith.cmpi sgt, %add3A_255, %sign3A_258 : i32
    %sign3A_260 = arith.extui %sign3A_259 : i1 to i32
    %sign3A_261 = arith.constant 0 : i32
    %sign3A_262 = arith.cmpi slt, %add3A_255, %sign3A_261 : i32
    %sign3A_263 = arith.extui %sign3A_262 : i1 to i32
    %sign3A_264 = arith.subi %sign3A_260, %sign3A_263 : i32
    %sign3A_265 = arith.constant 0 : i32
    %sign3A_266 = arith.cmpi sgt, %jit3A_256, %sign3A_265 : i32
    %sign3A_267 = arith.extui %sign3A_266 : i1 to i32
    %sign3A_268 = arith.constant 0 : i32
    %sign3A_269 = arith.cmpi slt, %jit3A_256, %sign3A_268 : i32
    %sign3A_270 = arith.extui %sign3A_269 : i1 to i32
    %sign3A_271 = arith.subi %sign3A_267, %sign3A_270 : i32
    %ne3A_272 = arith.cmpi ne, %sign3A_264, %sign3A_271 : i32
    %rem3A_273 = arith.remsi %add3A_255, %jit3A_256 : i32
    %ne3A_274 = arith.constant 0 : i32
    %ne3A_275 = arith.cmpi ne, %rem3A_273, %ne3A_274 : i32
    %and3A_276 = arith.andi %ne3A_272, %ne3A_275 : i1
    %sub3A_277 = arith.constant 1 : i32
    %sub3A_278 = arith.subi %div3A_257, %sub3A_277 : i32
    %select_n3A_279 = arith.select %and3A_276, %sub3A_278, %div3A_257 : i32
    %jit3A_280 = arith.constant 8 : i32
    %eq3A_281 = arith.constant 0 : i32
    %eq3A_282 = arith.cmpi eq, %jit3A_280, %eq3A_281 : i32
    %jit3A_283 = arith.constant 1 : i32
    %select_n3A_284 = arith.select %eq3A_282, %jit3A_283, %jit3A_280 : i32
    %rem3A_285 = arith.remsi %add3A_255, %select_n3A_284 : i32
    %ne3A_286 = arith.constant 0 : i32
    %ne3A_287 = arith.cmpi ne, %rem3A_285, %ne3A_286 : i32
    %lt3A_288 = arith.constant 0 : i32
    %lt3A_289 = arith.cmpi slt, %rem3A_285, %lt3A_288 : i32
    %lt3A_290 = arith.constant 0 : i32
    %lt3A_291 = arith.cmpi slt, %select_n3A_284, %lt3A_290 : i32
    %ne3A_292 = arith.xori %lt3A_289, %lt3A_291 : i1
    %and3A_293 = arith.andi %ne3A_292, %ne3A_287 : i1
    %add3A_294 = arith.addi %rem3A_285, %select_n3A_284 : i32
    %select_n3A_295 = arith.select %and3A_293, %add3A_294, %rem3A_285 : i32
    %mul3A_296 = arith.constant 256 : i32
    %mul3A_297 = arith.muli %select_n3A_295, %mul3A_296 : i32
    %multiple_of3A_298 = tpu.assume_multiple %mul3A_297, 256 : i32
    %mul3A_299 = arith.constant 4096 : i32
    %mul3A_300 = arith.muli %select_n3A_279, %mul3A_299 : i32
    %jit3A_301 = arith.constant 63 : i32
    %jit3A_302 = arith.constant 64 : i32
    %eq3A_303 = arith.constant 0 : i32
    %eq3A_304 = arith.cmpi eq, %jit3A_302, %eq3A_303 : i32
    %jit3A_305 = arith.constant 1 : i32
    %select_n3A_306 = arith.select %eq3A_304, %jit3A_305, %jit3A_302 : i32
    %rem3A_307 = arith.remsi %jit3A_301, %select_n3A_306 : i32
    %ne3A_308 = arith.constant 0 : i32
    %ne3A_309 = arith.cmpi ne, %rem3A_307, %ne3A_308 : i32
    %lt3A_310 = arith.constant 0 : i32
    %lt3A_311 = arith.cmpi slt, %rem3A_307, %lt3A_310 : i32
    %lt3A_312 = arith.constant 0 : i32
    %lt3A_313 = arith.cmpi slt, %select_n3A_306, %lt3A_312 : i32
    %ne3A_314 = arith.xori %lt3A_311, %lt3A_313 : i1
    %and3A_315 = arith.andi %ne3A_314, %ne3A_309 : i1
    %add3A_316 = arith.addi %rem3A_307, %select_n3A_306 : i32
    %select_n3A_317 = arith.select %and3A_315, %add3A_316, %rem3A_307 : i32
    %mul3A_318 = arith.constant 64 : i32
    %mul3A_319 = arith.muli %select_n3A_317, %mul3A_318 : i32
    %add3A_320 = arith.addi %mul3A_300, %mul3A_319 : i32
    %multiple_of3A_321 = tpu.assume_multiple %add3A_320, 64 : i32
    %dma_wait3A_322 = tpu.memref_slice %arg3[%multiple_of3A_321, %multiple_of3A_298] : memref<16384x2048xf32, #tpu.memory_space<hbm>> -> memref<64x256xf32, #tpu.memory_space<hbm>>
    %dma_wait3A_323 = tpu.memref_slice %arg3[%multiple_of3A_321, %multiple_of3A_298] : memref<16384x2048xf32, #tpu.memory_space<hbm>> -> memref<64x256xf32, #tpu.memory_space<hbm>>
    tpu.wait_dma2 semaphore(%arg11 : memref<!tpu.dma_semaphore, #tpu.memory_space<semaphore_mem>>) src(%arg7 : memref<64x256xf32, #tpu.memory_space<vmem>>) dst(%dma_wait3A_323 : memref<64x256xf32, #tpu.memory_space<hbm>>)
    return
  }
}

</mosaic_0001>

<sc_bundles>
// kernel: kernel.3.cloned.1.call-start
scs
__scs_entry_jumppad:
0x0: {  	(pc) =	sbr.rel $0x88, $3  }
0x1: {  	(tag) =	ssettag $0x0;
	lr =	simm.s32 $0x1  }
0x2: {  	[smem:$0x3FA0] =	sst lr;
	_ =	strace $0xD0000000  }
0x3: {  	_ = 	snop  }
0x4: {  	_ = 	snop  }
0x5: {  	_ = 	snop  }
0x6: {  	_ = 	snop  }
0x7: {  	_ = 	snop  }
__scs_overlays_trampoline_lowered:
0x8: {  	[smem:$0x3FAF] =	sst s0  }
0x9: {  	[smem:$0x3FB0] =	sst s1  }
0xa: {  	[smem:$0x3FB1] =	sst s2  }
0xb: {  	[smem:$0x3FB2] =	sst s3  }
0xc: {  	[smem:$0x3FB3] =	sst s4  }
0xd: {  	[smem:$0x3FB4] =	sst s5  }
0xe: {  	[smem:$0x3FB5] =	sst s6  }
0xf: {  	[smem:$0x3FB6] =	sst s7  }
0x10: {  	[smem:$0x3FB7] =	sst s8  }
0x11: {  	[smem:$0x3FB8] =	sst s9;
	s0 =	simm.s32 @!p0 $0x0  }
0x12: {  	s1 =	sld [smem:$0x3F9E];
	s0 =	simm.s32 @p0 $0x1  }
0x13: {  	[smem:$0x3FB9] =	sst s0;
	s0 =	simm.s32 @!p1 $0x0  }
0x14: {  	s2 =	sld [smem:$0x3F9D];
	s0 =	simm.s32 @p1 $0x1  }
0x15: {  	[smem:$0x3FBA] =	sst s0;
	s0 =	simm.s32 @!p2 $0x0  }
0x16: {  	s3 =	sld [smem:$0x3FDB];
	s0 =	simm.s32 @p2 $0x1  }
0x17: {  	s4 =	simm.s32 $0x1BF5;
	[smem:$0x3FBC] =	sst s0  }
0x18: {  	s0 =	sld [smem:$0x3F9F];
	_ =	swait.ge [sflag:s4], $0x0  }
0x19: {  	s7 =	sld [smem:$0x3FA0]  }
0x1a: {  	s8 =	sadd.s32 $0xFFFFE003, lr  }
0x1b: {  	s9 =	sadd.s32 $0xFFFFFEF7, lr;
	s5 =	simm.s32 $0xFFFFFFFF;
	p2 =	slt.u32 s8, $0xFFFFF086  }
0x1c: {  	p1 =	slt.u32 s9, $0xF7A;
	s5 =	simm.s32 @!p2 $0x0  }
0x1d: {  	s5 =	simm.s32 @p1 $0x1;
	p0 =	seq.s32 s7, s2  }
0x1e: {  	s7 =	smul.u32 @!p0 $0xF7A, s2;
	p2 =	seq.s32 @!p0 s5, $0x0  }
0x1f: {  	s9 =	smul.u32 $0xF7A, s1;
	s8 =	simm.s32 @!p0 $0x1BF5;
	p2 =	por !p2, p0  }
0x20: {  	[sflag:s8] =	ssyncset.s32 @!p0 $0xFFFFF086;
	s6 =	sadd.s32 @!p0 s3, s7;
	s7 =	simm.s32 @!p0 $0x108  }
0x21: {  	s3 =	sadd.s32 s3, s9;
	s6 =	sadd.s32 @!p0 $0x88, s6;
	s7 =	simm.s32 @p2 $0x1082  }
0x22: {  	[simem:s7], [sflag:s8] =	dma.local @!p0 [hbm:s6], $0xF7A  }
0x23: {  	s9 =	sor.u32 $0xD0000000, s2;
	s6 =	simm.s32 $0x108;
	_ =	swait.ge @!p0 [sflag:s8], $0x0  }
0x24: {  	s3 =	sadd.s32 $0x88, s3;
	s6 =	simm.s32 @!p1 $0x1082;
	[sflag:s4] =	ssyncset.s32 $0xFFFFF086  }
0x25: {  	[simem:s6], [sflag:s4] =	dma.local [hbm:s3], $0xF7A  }
0x26: {  	[smem:$0x3FA0] =	sst s1;
	(tag) =	ssettag s2;
	_ =	strace s9  }
0x27: {  	s1 =	sld [smem:$0x3FB0]  }
0x28: {  	s2 =	sld [smem:$0x3FB1]  }
0x29: {  	s4 =	sld [smem:$0x3FB3]  }
0x2a: {  	p0 =	seq.s32 s5, $0x0;
	s5 =	sld [smem:$0x3FB4]  }
0x2b: {  	s6 =	sld [smem:$0x3FB5]  }
0x2c: {  	s7 =	sld [smem:$0x3FB6]  }
0x2d: {  	s3 =	simm.s32 $0x108;
	s8 =	sld [smem:$0x3FB7]  }
0x2e: {  	s3 =	simm.s32 @!p0 $0x1082;
	s9 =	sld [smem:$0x3FB8]  }
0x2f: {  	lr =	sadd.s32 s0, s3;
	s0 =	sld [smem:$0x3FAF]  }
0x30: {  	s3 =	sld [smem:$0x3FB2]  }
0x31: {  	[smem:$0x3FBB] =	sst s10  }
0x32: {  	s10 =	sld [smem:$0x3FB9];
	_ =	sdelay $0x3  }
0x33: {  	p0 =	seq.s32 s10, $0x1;
	s10 =	sld [smem:$0x3FBB];
	_ =	sdelay $0x3  }
0x34: {  	[smem:$0x3FBB] =	sst s10  }
0x35: {  	s10 =	sld [smem:$0x3FBA];
	_ =	sdelay $0x3  }
0x36: {  	p1 =	seq.s32 s10, $0x1;
	s10 =	sld [smem:$0x3FBB];
	_ =	sdelay $0x3  }
0x37: {  	[smem:$0x3FBB] =	sst s10  }
0x38: {  	s10 =	sld [smem:$0x3FBC]  }
0x39: {  	_ = 	snop;
	(pc) =	sbr.ind lr, $3  }
0x3a: {  	_ = 	snop  }
0x3b: {  	_ = 	snop  }
0x3c: {  	p2 =	seq.s32 s10, $0x1;
	s10 =	sld [smem:$0x3FBB]  }
0x3d: {  	_ =	shalt  }
0x3e: {  	_ =	shalt  }
0x3f: {  	_ =	shalt  }
0x40: {  	_ =	shalt  }
0x41: {  	_ =	shalt  }
0x42: {  	_ =	shalt  }
0x43: {  	_ =	shalt  }
0x44: {  	_ =	shalt  }
0x45: {  	_ =	shalt  }
0x46: {  	_ =	shalt  }
0x47: {  	_ =	shalt  }
0x48: {  	_ =	shalt  }
0x49: {  	_ =	shalt  }
0x4a: {  	_ =	shalt  }
0x4b: {  	_ =	shalt  }
0x4c: {  	_ =	shalt  }
0x4d: {  	_ =	shalt  }
0x4e: {  	_ =	shalt  }
0x4f: {  	_ =	shalt  }
0x50: {  	_ =	shalt  }
0x51: {  	_ =	shalt  }
0x52: {  	_ =	shalt  }
0x53: {  	_ =	shalt  }
0x54: {  	_ =	shalt  }
0x55: {  	_ =	shalt  }
0x56: {  	_ =	shalt  }
0x57: {  	_ =	shalt  }
0x58: {  	_ =	shalt  }
0x59: {  	_ =	shalt  }
0x5a: {  	_ =	shalt  }
0x5b: {  	_ =	shalt  }
0x5c: {  	_ =	shalt  }
0x5d: {  	_ =	shalt  }
0x5e: {  	_ =	shalt  }
0x5f: {  	_ =	shalt  }
0x60: {  	_ =	shalt  }
0x61: {  	_ =	shalt  }
0x62: {  	_ =	shalt  }
0x63: {  	_ =	shalt  }
0x64: {  	_ =	shalt  }
0x65: {  	_ =	shalt  }
0x66: {  	_ =	shalt  }
0x67: {  	_ =	shalt  }
0x68: {  	_ =	shalt  }
0x69: {  	_ =	shalt  }
0x6a: {  	_ =	shalt  }
0x6b: {  	_ =	shalt  }
0x6c: {  	_ =	shalt  }
0x6d: {  	_ =	shalt  }
0x6e: {  	_ =	shalt  }
0x6f: {  	_ =	shalt  }
0x70: {  	_ =	shalt  }
0x71: {  	_ =	shalt  }
0x72: {  	_ =	shalt  }
0x73: {  	_ =	shalt  }
0x74: {  	_ =	shalt  }
0x75: {  	_ =	shalt  }
0x76: {  	_ =	shalt  }
0x77: {  	_ =	shalt  }
0x78: {  	_ =	shalt  }
0x79: {  	_ =	shalt  }
0x7a: {  	_ =	shalt  }
0x7b: {  	_ =	shalt  }
0x7c: {  	_ =	shalt  }
0x7d: {  	_ =	shalt  }
0x7e: {  	_ =	shalt  }
0x7f: {  	_ =	shalt  }
0x80: {  	_ =	shalt  }
0x81: {  	_ =	shalt  }
0x82: {  	_ =	shalt  }
0x83: {  	_ =	shalt  }
0x84: {  	_ =	shalt  }
0x85: {  	_ =	shalt  }
0x86: {  	_ =	shalt  }
0x87: {  	_ =	shalt  }
.Lfunc_end0:
.L_simem_size_0:
called_computation_lowered:
.L_overlay_start_0:
0x88: {  	s2 =	sld [smem:$0x3FD9]  }
0x89: {  	s3 =	sld [smem:$0x3FFE];
	_ =	sdelay $0x1  }
0x8a: {  	s1 =	srdreg.scid  }
0x8b: {  	s0 =	sand.u32 $0x1, s1  }
0x8c: {  	s18 =	sshll.u32 s0, $0xA;
	s2 =	sadd.s32 s3, s2  }
0x8d: {  	s2 =	sadd.s32 s2, s18  }
0x8e: {  	[smem:$0x3FC7] =	sst s2  }
0x8f: {  	_ = 	snop  }
0x90: {  	s2 =	sld [smem:$0x3FC9]  }
0x91: {  	s19 =	sld [smem:$0x3FD0];
	(tm) =	ssettm $0x1  }
0x92: {  	s4 =	sld [smem:$0x3FFB];
	_ =	sdelay $0x3  }
0x93: {  	_ =	strace s4  }
0x94: {  	s4 =	sld [smem:$0x3FFC];
	_ =	sdelay $0x3  }
0x95: {  	_ =	strace s4  }
0x96: {  	s4 =	sld [smem:$0x3FFD];
	_ =	sdelay $0x3  }
0x97: {  	_ =	strace s4  }
0x98: {  	_ =	strace $0x8FFFFFFF  }
0x99: {  	s20 =	sld [smem:$0x3FDB];
	_ =	sdelay $0x1  }
0x9a: {  	s5 =	simm.s32 $_scs_section_size  }
0x9b: {  	s6 =	simm.s32 $_size__tile_overlayer_lowered;
	s7 =	simm.s32 $_tile_overlayer_lowered  }
0x9c: {  	s23 =	simm.s32 $0x1BFF;
	s22 =	sshll.u32 s7, $0x1;
	s4 =	sadd.s32 s5, s20  }
0x9d: {  	s8 =	simm.s32 $0x0;
	s21 =	sshll.u32 s6, $0x1;
	s6 =	sadd.s32 s22, s4  }
0x9e: {  	[timem:s8], [sflag:s23] =	dma.local [hbm:s6], s21  }
0x9f: {  	_ =	swait.ge [sflag:s23], s21  }
0xa0: {  	s5 =	ssub.s32 $0x0, s21;
	[sflag:s23] =	ssyncset.done $0x0  }
0xa1: {  	[sflag:s23] =	ssyncadd.s32 s5;
	_ =	sdelay $0x1  }
0xa2: {  	s24 =	simm.s32 $0x1B8B  }
0xa3: {  	_ =	swait.ge [sflag:s24], $0x1  }
0xa4: {  	[sflag:s24] =	ssyncset.done $0x0  }
0xa5: {  	s25 =	simm.s32 $0x1B8E;
	[sflag:s24] =	ssyncadd.s32 $0xFFFFFFFF  }
0xa6: {  	s26 =	simm.s32 $execute0_lowered;
	[smem:$0x3FD2] =	sst s25  }
0xa7: {  	s5 =	sshll.u32 s26, $0x1;
	_ =	strace $0x80000046;
	[dreg:$0x1] =	wrdreg $0xFFFFFFFF  }
0xa8: {  	s28 =	simm.s32 $_size_execute0_lowered;
	s4 =	sadd.s32 s4, s5;
	[dreg:$0x0] =	wrdreg $0x0  }
0xa9: {  	s5 =	sshll.u32 s28, $0x1;
	[dreg:$0x2] =	wrdreg s4  }
0xaa: {  	[dreg:$0x3] =	wrdreg s5  }
0xab: {  	[dreg:$0x4] =	wrdreg $0xC0  }
0xac: {  	_ =	task [dreg:s8], $0x5FFFF  }
0xad: {  	[dreg:$0x1] =	wrdreg $0xFFFFFFFF  }
0xae: {  	[dreg:$0x0] =	wrdreg $0x60  }
0xaf: {  	[dreg:$0x2] =	wrdreg s2  }
0xb0: {  	[dreg:$0x3] =	wrdreg s19  }
0xb1: {  	[dreg:$0x4] =	wrdreg $0x9  }
0xb2: {  	_ =	task.clear_ibuf [dreg:s8], $0x5FFFF;
	_ =	strace $0x90000046  }
0xb3: {  	s29 =	simm.s32 $0x9;
	_ =	strace $0x80000048  }
0xb4: {  	_ =	swait.ge [sflag:s29], $0x1  }
0xb5: {  	[sflag:s29] =	ssyncadd.s32 $0xFFFFFFFF  }
0xb6: {  	_ =	strace $0x90000048  }
0xb7: {  	_ =	sfence  }
0xb8: {  	s30 =	sld [smem:$0x0];
	_ =	sdelay $0x2  }
0xb9: {  	s31 =	sshll.u32 s1, $0xD;
	s1 =	sshrl.u32 s1, $0x2  }
0xba: {  	s3 =	sand.u32 $0x4000, s31;
	s1 =	sadd.s32 s1, s30  }
0xbb: {  	s0 =	sor.u32 s3, s0;
	s1 =	sshll.u32 s1, $0x11  }
0xbc: {  	s0 =	sor.u32 s1, s0  }
0xbd: {  	s0 =	sadd.s32 $0x8F2B, s0  }
0xbe: {  	[sflag:s0] =	ssyncadd.remote.s32 $0x1  }
0xbf: {  	_ =	sfence.sel $0xFFFF  }
0xc0: {  	[dreg:$0x0] =	wrdreg $0xFFFFFFFF;
	(pc) =	sbr.abs _section_cstart, $3  }
0xc1: {  	[dreg:$0x1] =	wrdreg $0xFFFFFFFF  }
0xc2: {  	_ =	task.clear_ibuf [dreg:s8], $0x2FFFF;
	_ =	strace $0x9FFFFFFF  }
0xc3: {  	(tm) =	ssettm $0x7FFFFFFF  }
tec
execute0_lowered:
.L_overlay_start_1:
0x0: {  	(tag) =	ssettag $0x1  }
0x1: {  	s1 =	srdreg.scid;
	s2 =	rddreg [dreg:$0x0]  }
0x2: {  	s0 =	stileid.u32;
	s9 =	rddreg [dreg:$0x1]  }
0x3: {  	s12 =	simm.s32 $0x4000;
	s13 =	simm.s32 $0x1;
	s14 =	simm.s32 $0x8000  }
0x4: {  	s15 =	simm.s32 $0x2;
	s16 =	simm.s32 $0xC000;
	s17 =	simm.s32 $0x3  }
0x5: {  	s18 =	simm.s32 $0x4;
	s19 =	simm.s32 $0x0;
	s6 =	sand.u32 $0x1, s1  }
0x6: {  	s30 =	sshll.u32 s0, $0x1;
	s4 =	sshll.u32 s0, $0x12;
	s1 =	rddreg [dreg:$0x2]  }
0x7: {  	s3 =	sor.u32 s6, s30;
	s4 =	sand.u32 $0x300000, s4;
	s7 =	ssub.s32 $0x2, s6  }
.Ltmp0:
0x8: {  	s5 =	sshll.u32 s3, $0x8;
	s8 =	sshrl.u32 s7, $0x1;
	(pc) =	sbr.rel .LBB2_1-.Ltmp0, $4  }
0x9: {  	s10 =	sand.u32 $0x700, s5;
	s5 =	simm.s32 $0x0;
	s11 =	ssub.s32 s7, s8  }
0xa: {  	s8 =	sor.u32 $0x4000, s4;
	s31 =	sor.u32 s4, s10;
	[smem:$0x7FF] =	sst s5  }
0xb: {  	s9 =	sadd.s32 s9, s10;
	s10 =	smax.u32 s11, $0x1;
	s6 =	sadd.s32 s2, s31  }
0xc: {  	s11 =	simm.s32 $0x800;
	_ =	strace $0x80000047;
	s7 =	sadd.s32 $0x4000, s6  }
.LBB2_8:
0xd: {  	s19 =	sadd.s32 $0x1, s19  }
0xe: {  	_ =	swait.ge [sflag:s17], $0x4000;
	p0 =	sne.s32 s19, s10  }
.Ltmp1:
0xf: {  	[sflag:s17] =	ssyncset.done $0x0;
	(pc) =	sbr.rel @!p0 .LBB2_9-.Ltmp1, $4  }
0x10: {  	[sflag:s17] =	ssyncadd.s32 $0xFFFFC000  }
0x11: {  	_ =	swait.ge [sflag:s18], $0x4000  }
0x12: {  	[sflag:s18] =	ssyncset.done $0x0  }
0x13: {  	[sflag:s18] =	ssyncadd.s32 $0xFFFFC000  }
.LBB2_1:
0x14: {  	v0 =	vimm.f32 $0.0e+00  }
0x15: {  	v10 =	vimm.f32 $0.0e+00;
	v11 =	vimm.f32 $0.0e+00;
	v12 =	vimm.f32 $0.0e+00  }
0x16: {  	v14 =	vimm.f32 $0.0e+00;
	v15 =	vimm.f32 $0.0e+00;
	v8 =	vimm.f32 $0.0e+00  }
0x17: {  	[tilespmem:s5], [sflag:$0x1] =	stream.strided.gather [hbm4b:s6+s11], $0x4000, s12, s11, $0x38;
	v13 =	vimm.f32 $0.0e+00;
	v9 =	vimm.f32 $0.0e+00;
	v7 =	vimm.f32 $0.0e+00;
	[tilespmem:$0x10000] =	vst v63  }
0x18: {  	v6 =	vimm.f32 $0.0e+00;
	v5 =	vimm.f32 $0.0e+00;
	v4 =	vimm.f32 $0.0e+00;
	s20 =	simm.s32 $0x0  }
0x19: {  	v3 =	vimm.f32 $0.0e+00;
	v2 =	vimm.f32 $0.0e+00;
	v1 =	vimm.f32 $0.0e+00;
	[tilespmem:s12], [sflag:$0x2] =	stream.strided.gather [hbm4b:s7+s11], $0x4000, s12, s11, $0x38;
	[tilespmem:$0x10000] =	vst v63  }
.LBB2_2:
0x1a: {  	_ =	swait.ge [sflag:s13], $0x4000  }
0x1b: {  	p0 =	seq.s32 s20, $0x0;
	[sflag:s13] =	ssyncset.done $0x0  }
0x1c: {  	s21 =	simm.s32 @!p0 $0x3;
	[sflag:s13] =	ssyncadd.s32 $0xFFFFC000  }
0x1d: {  	s22 =	simm.s32 $0x0;
	_ =	swait.ge @!p0 [sflag:s21], $0x4000  }
0x1e: {  	s23 =	sand.u32 $0x3800, s22;
	s22 =	sand.u32 $0x380, s22;
	[sflag:s21] =	ssyncset.done @!p0 $0x0  }
0x1f: {  	s23 =	sor.u32 s22, s23;
	[sflag:s21] =	ssyncadd.s32 @!p0 $0xFFFFC000  }
0x20: {  	v16 =	vld [tilespmem:s23+$0x470]  }
0x21: {  	v17 =	vld [tilespmem:s23+$0x0]  }
0x22: {  	v18 =	vld [tilespmem:s23+$0x10]  }
0x23: {  	v19 =	vld [tilespmem:s23+$0x20]  }
0x24: {  	v0 =	vpsel p0, $0x0, v0;
	v20 =	vld [tilespmem:s23+$0x30]  }
0x25: {  	v1 =	vpsel p0, $0x0, v1;
	v21 =	vld [tilespmem:s23+$0x40];
	v0 =	vadd.f32 v16, v0  }
0x26: {  	v2 =	vpsel p0, $0x0, v2;
	v22 =	vld [tilespmem:s23+$0x50];
	v1 =	vadd.f32 v17, v1  }
0x27: {  	v3 =	vpsel p0, $0x0, v3;
	v23 =	vld [tilespmem:s23+$0x60];
	v2 =	vadd.f32 v18, v2;
	[tilespmem:s23+$0x8470] =	vst v0  }
0x28: {  	v4 =	vpsel p0, $0x0, v4;
	v24 =	vld [tilespmem:s23+$0x70];
	v3 =	vadd.f32 v19, v3;
	[tilespmem:s23+$0x8000] =	vst v1  }
0x29: {  	v5 =	vpsel p0, $0x0, v5;
	v25 =	vld [tilespmem:s23+$0x400];
	v4 =	vadd.f32 v20, v4;
	[tilespmem:s23+$0x8010] =	vst v2  }
0x2a: {  	v6 =	vpsel p0, $0x0, v6;
	v7 =	vpsel p0, $0x0, v7;
	v16 =	vld [tilespmem:s23+$0x410];
	v5 =	vadd.f32 v21, v5;
	[tilespmem:s23+$0x8020] =	vst v3  }
0x2b: {  	v10 =	vpsel p0, $0x0, v10;
	v11 =	vpsel p0, $0x0, v11;
	v17 =	vld [tilespmem:s23+$0x420];
	v6 =	vadd.f32 v22, v6;
	[tilespmem:s23+$0x8030] =	vst v4  }
0x2c: {  	s26 =	simm.s32 $0x100;
	s25 =	simm.s32 $0x80;
	v12 =	vpsel p0, $0x0, v12;
	v9 =	vpsel p0, $0x0, v9;
	v18 =	vld [tilespmem:s23+$0x430];
	v7 =	vadd.f32 v23, v7;
	[tilespmem:s23+$0x8040] =	vst v5  }
0x2d: {  	s28 =	sand.u32 $0x3800, s26;
	s29 =	sand.u32 $0x380, s25;
	s22 =	sshll.u32 s20, $0xF;
	v19 =	vld [tilespmem:s23+$0x440];
	v20 =	vpsel p0, $0x0, v13;
	v13 =	vpsel p0, $0x0, v8;
	v8 =	vadd.f32 v24, v9;
	[tilespmem:s23+$0x8050] =	vst v6  }
0x2e: {  	v14 =	vpsel p0, $0x0, v14;
	v15 =	vpsel p0, $0x0, v15;
	s26 =	simm.s32 $0x200;
	s24 =	sor.u32 s22, s4;
	s21 =	sshll.u32 s20, $0x1;
	v9 =	vadd.f32 v25, v20;
	v20 =	vld [tilespmem:s23+$0x450];
	[tilespmem:s23+$0x8060] =	vst v7  }
.LBB2_3:
0x2f: {  	p1 =	sne.s32 s26, $0x3F00;
	s28 =	sor.u32 s29, s28;
	[tilespmem:s23+$0x8070] =	vst v8;
	v13 =	vadd.f32 v16, v13;
	v16 =	vld [tilespmem:s23+$0x460]  }
0x30: {  	v21 =	vld [tilespmem:s28+$0x470];
	[tilespmem:s23+$0x8400] =	vst v9;
	v15 =	vadd.f32 v17, v15  }
0x31: {  	v17 =	vld [tilespmem:s28+$0x0];
	[tilespmem:s23+$0x8410] =	vst v13;
	v14 =	vadd.f32 v18, v14  }
0x32: {  	v18 =	vld [tilespmem:s28+$0x10];
	[tilespmem:s23+$0x8420] =	vst v15;
	v12 =	vadd.f32 v19, v12  }
0x33: {  	v19 =	vld [tilespmem:s28+$0x20];
	[tilespmem:s23+$0x8430] =	vst v14;
	v11 =	vadd.f32 v20, v11  }
0x34: {  	v20 =	vld [tilespmem:s28+$0x30];
	[tilespmem:s23+$0x8440] =	vst v12;
	v10 =	vadd.f32 v16, v10  }
0x35: {  	v16 =	vld [tilespmem:s28+$0x40];
	v0 =	vadd.f32 v21, v0;
	[tilespmem:s23+$0x8450] =	vst v11  }
0x36: {  	v1 =	vadd.f32 v17, v1;
	v17 =	vld [tilespmem:s28+$0x50];
	[tilespmem:s23+$0x8460] =	vst v10;
	s23 =	smov.u32 s28  }
0x37: {  	v2 =	vadd.f32 v18, v2;
	v18 =	vld [tilespmem:s23+$0x60];
	[tilespmem:s23+$0x8470] =	vst v0  }
0x38: {  	[tilespmem:s23+$0x8000] =	vst v1;
	v3 =	vadd.f32 v19, v3;
	v19 =	vld [tilespmem:s23+$0x70]  }
0x39: {  	[tilespmem:s23+$0x8010] =	vst v2;
	v4 =	vadd.f32 v20, v4;
	v20 =	vld [tilespmem:s23+$0x400]  }
.Ltmp2:
0x3a: {  	[tilespmem:s23+$0x8020] =	vst v3;
	v5 =	vadd.f32 v16, v5;
	v16 =	vld [tilespmem:s23+$0x410];
	(pc) =	sbr.rel @p1 .LBB2_3-.Ltmp2, $4  }
0x3b: {  	[tilespmem:s23+$0x8030] =	vst v4;
	v6 =	vadd.f32 v17, v6;
	v17 =	vld [tilespmem:s23+$0x420]  }
0x3c: {  	[tilespmem:s23+$0x8040] =	vst v5;
	v7 =	vadd.f32 v18, v7;
	v18 =	vld [tilespmem:s23+$0x430]  }
0x3d: {  	s25 =	sadd.s32 $0x80, s25;
	[tilespmem:s23+$0x8050] =	vst v6;
	v8 =	vadd.f32 v19, v8;
	v19 =	vld [tilespmem:s23+$0x440]  }
0x3e: {  	s29 =	sand.u32 $0x380, s25;
	s28 =	sand.u32 $0x3800, s26;
	s26 =	sadd.s32 $0x100, s26;
	[tilespmem:s23+$0x8060] =	vst v7;
	v9 =	vadd.f32 v20, v9;
	v20 =	vld [tilespmem:s23+$0x450]  }
0x3f: {  	[tilespmem:s23+$0x8070] =	vst v8;
	s25 =	sor.u32 s29, s28;
	v21 =	vld [tilespmem:s23+$0x460];
	v13 =	vadd.f32 v16, v13  }
0x40: {  	v22 =	vld [tilespmem:s25+$0x470];
	[tilespmem:s23+$0x8400] =	vst v9;
	v15 =	vadd.f32 v17, v15  }
0x41: {  	v16 =	vld [tilespmem:s25+$0x0];
	[tilespmem:s23+$0x8410] =	vst v13;
	v14 =	vadd.f32 v18, v14  }
0x42: {  	v17 =	vld [tilespmem:s25+$0x10];
	[tilespmem:s23+$0x8420] =	vst v15;
	v12 =	vadd.f32 v19, v12  }
0x43: {  	v18 =	vld [tilespmem:s25+$0x20];
	[tilespmem:s23+$0x8430] =	vst v14;
	v11 =	vadd.f32 v20, v11  }
0x44: {  	v19 =	vld [tilespmem:s25+$0x30];
	[tilespmem:s23+$0x8440] =	vst v12;
	v10 =	vadd.f32 v21, v10  }
0x45: {  	v20 =	vld [tilespmem:s25+$0x40];
	[tilespmem:s23+$0x8450] =	vst v11;
	v21 =	vadd.f32 v22, v0  }
0x46: {  	v0 =	vld [tilespmem:s25+$0x50];
	v16 =	vadd.f32 v16, v1;
	[tilespmem:s23+$0x8460] =	vst v10  }
0x47: {  	v17 =	vadd.f32 v17, v2;
	v1 =	vld [tilespmem:s25+$0x60];
	[tilespmem:s25+$0x8470] =	vst v21  }
0x48: {  	v2 =	vld [tilespmem:s25+$0x70];
	[tilespmem:s25+$0x8000] =	vst v16;
	v18 =	vadd.f32 v18, v3  }
0x49: {  	v3 =	vld [tilespmem:s25+$0x400];
	[tilespmem:s25+$0x8010] =	vst v17;
	v19 =	vadd.f32 v19, v4  }
0x4a: {  	v4 =	vld [tilespmem:s25+$0x410];
	[tilespmem:s25+$0x8020] =	vst v18;
	v20 =	vadd.f32 v20, v5  }
0x4b: {  	[tilespmem:s25+$0x8030] =	vst v19;
	v22 =	vadd.f32 v0, v6;
	v0 =	vld [tilespmem:s25+$0x420]  }
0x4c: {  	[tilespmem:s25+$0x8040] =	vst v20;
	v23 =	vadd.f32 v1, v7;
	v1 =	vld [tilespmem:s25+$0x430]  }
0x4d: {  	v24 =	vadd.f32 v2, v8;
	v2 =	vld [tilespmem:s25+$0x440];
	[tilespmem:s25+$0x8050] =	vst v22  }
0x4e: {  	v6 =	vld [tilespmem:s25+$0x450];
	v25 =	vadd.f32 v3, v9;
	[tilespmem:s25+$0x8060] =	vst v23  }
0x4f: {  	v7 =	vld [tilespmem:s25+$0x460];
	[tilespmem:s25+$0x8070] =	vst v24;
	v4 =	vadd.f32 v4, v13  }
0x50: {  	[tilespmem:s25+$0x8400] =	vst v25;
	v5 =	vadd.f32 v0, v15  }
0x51: {  	[tilespmem:s25+$0x8410] =	vst v4;
	v3 =	vadd.f32 v1, v14  }
0x52: {  	p1 =	seq.s32 s20, $0x1F;
	v2 =	vadd.f32 v2, v12;
	[tilespmem:s25+$0x8420] =	vst v5  }
0x53: {  	s23 =	sadd.s32 @!p1 $0x2, s21;
	v1 =	vadd.f32 v6, v11;
	[tilespmem:s25+$0x8430] =	vst v3  }
0x54: {  	s26 =	sadd.s32 s24, s9;
	s24 =	sshrl.u32 @!p1 s23, $0x6;
	v0 =	vadd.f32 v7, v10;
	[tilespmem:s25+$0x8440] =	vst v2  }
0x55: {  	s24 =	sadd.s32 @!p1 s3, s24;
	[tilespmem:s25+$0x8450] =	vst v1  }
0x56: {  	s23 =	sshll.u32 @!p1 s23, $0xE;
	[tilespmem:s25+$0x8460] =	vst v0;
	s25 =	sshll.u32 @!p1 s24, $0x11;
	s24 =	sshll.u32 @!p1 s24, $0x8  }
0x57: {  	[hbm4b:s26+s11] =	stream.strided.scatter [tilespmem:s14], [sflag:$0x3], $0x4000, s12, s11, $0x38;
	[tilespmem:$0x10000] =	vst v63  }
0x58: {  	s23 =	sand.u32 @!p1 $0xF8000, s23;
	s25 =	sand.u32 @!p1 $0xFF00000, s25;
	s24 =	sand.u32 @!p1 $0x700, s24  }
0x59: {  	s26 =	simm.s32 @!p1 $0x0;
	s23 =	sor.u32 @!p1 s25, s23;
	s24 =	sadd.s32 @!p1 s2, s24  }
0x5a: {  	s25 =	simm.s32 @!p1 $0x4000;
	s23 =	sadd.s32 @!p1 s23, s24;
	s24 =	simm.s32 @!p1 $0x800  }
0x5b: {  	[tilespmem:s26], [sflag:$0x1] =	stream.strided.gather @!p1 [hbm4b:s23+s24], $0x4000, s25, s24, $0x38;
	[tilespmem:$0x10000] =	vst v63  }
0x5c: {  	_ =	swait.ge [sflag:s15], $0x4000  }
0x5d: {  	[sflag:s15] =	ssyncset.done $0x0  }
0x5e: {  	s23 =	simm.s32 @!p0 $0x4;
	[sflag:s15] =	ssyncadd.s32 $0xFFFFC000  }
0x5f: {  	s29 =	simm.s32 $0x0;
	_ =	swait.ge @!p0 [sflag:s23], $0x4000  }
0x60: {  	s30 =	sand.u32 $0x3800, s29;
	s24 =	sand.u32 $0x380, s29;
	[sflag:s23] =	ssyncset.done @!p0 $0x0  }
0x61: {  	[sflag:s23] =	ssyncadd.s32 @!p0 $0xFFFFC000;
	s23 =	sor.u32 s24, s30  }
0x62: {  	v6 =	vld [tilespmem:s23+$0x4470]  }
0x63: {  	v7 =	vld [tilespmem:s23+$0x4000]  }
0x64: {  	v8 =	vld [tilespmem:s23+$0x4010]  }
0x65: {  	v9 =	vld [tilespmem:s23+$0x4020]  }
0x66: {  	v10 =	vld [tilespmem:s23+$0x4030]  }
0x67: {  	v11 =	vld [tilespmem:s23+$0x4040];
	v6 =	vadd.f32 v6, v21  }
0x68: {  	v12 =	vld [tilespmem:s23+$0x4050];
	v7 =	vadd.f32 v7, v16  }
0x69: {  	v14 =	vld [tilespmem:s23+$0x4060];
	v13 =	vadd.f32 v8, v17;
	[tilespmem:s23+$0xC470] =	vst v6  }
0x6a: {  	v15 =	vld [tilespmem:s23+$0x4070];
	v8 =	vadd.f32 v9, v18;
	[tilespmem:s23+$0xC000] =	vst v7  }
0x6b: {  	v21 =	vld [tilespmem:s23+$0x4400];
	v9 =	vadd.f32 v10, v19;
	[tilespmem:s23+$0xC010] =	vst v13  }
0x6c: {  	v19 =	vld [tilespmem:s23+$0x4410];
	v10 =	vadd.f32 v11, v20;
	[tilespmem:s23+$0xC020] =	vst v8  }
0x6d: {  	v16 =	vld [tilespmem:s23+$0x4420];
	v11 =	vadd.f32 v12, v22;
	[tilespmem:s23+$0xC030] =	vst v9  }
0x6e: {  	v17 =	vld [tilespmem:s23+$0x4430];
	v12 =	vadd.f32 v14, v23;
	[tilespmem:s23+$0xC040] =	vst v10  }
0x6f: {  	s22 =	sor.u32 s8, s22;
	s31 =	simm.s32 $0x100;
	s24 =	simm.s32 $0x80;
	v18 =	vld [tilespmem:s23+$0x4440];
	v14 =	vadd.f32 v15, v24;
	[tilespmem:s23+$0xC050] =	vst v11  }
0x70: {  	s26 =	sand.u32 $0x3800, s31;
	s25 =	simm.s32 $0x200;
	s28 =	sand.u32 $0x380, s24;
	v20 =	vld [tilespmem:s23+$0x4450];
	[tilespmem:s23+$0xC060] =	vst v12;
	v15 =	vadd.f32 v21, v25  }
.LBB2_5:
0x71: {  	p0 =	sne.s32 s25, $0x3F00;
	s26 =	sor.u32 s28, s26;
	[tilespmem:s23+$0xC070] =	vst v14;
	v4 =	vadd.f32 v19, v4;
	v19 =	vld [tilespmem:s23+$0x4460]  }
0x72: {  	v21 =	vld [tilespmem:s26+$0x4470];
	[tilespmem:s23+$0xC400] =	vst v15;
	v5 =	vadd.f32 v16, v5  }
0x73: {  	v16 =	vld [tilespmem:s26+$0x4000];
	[tilespmem:s23+$0xC410] =	vst v4;
	v3 =	vadd.f32 v17, v3  }
0x74: {  	v17 =	vld [tilespmem:s26+$0x4010];
	[tilespmem:s23+$0xC420] =	vst v5;
	v2 =	vadd.f32 v18, v2  }
0x75: {  	v18 =	vld [tilespmem:s26+$0x4020];
	[tilespmem:s23+$0xC430] =	vst v3;
	v1 =	vadd.f32 v20, v1  }
0x76: {  	v20 =	vld [tilespmem:s26+$0x4030];
	[tilespmem:s23+$0xC440] =	vst v2;
	v0 =	vadd.f32 v19, v0  }
0x77: {  	v19 =	vld [tilespmem:s26+$0x4040];
	v6 =	vadd.f32 v21, v6;
	[tilespmem:s23+$0xC450] =	vst v1  }
0x78: {  	v7 =	vadd.f32 v16, v7;
	v16 =	vld [tilespmem:s26+$0x4050];
	[tilespmem:s23+$0xC460] =	vst v0;
	s23 =	smov.u32 s26  }
0x79: {  	v13 =	vadd.f32 v17, v13;
	v17 =	vld [tilespmem:s23+$0x4060];
	[tilespmem:s23+$0xC470] =	vst v6  }
0x7a: {  	[tilespmem:s23+$0xC000] =	vst v7;
	v8 =	vadd.f32 v18, v8;
	v18 =	vld [tilespmem:s23+$0x4070]  }
0x7b: {  	[tilespmem:s23+$0xC010] =	vst v13;
	v9 =	vadd.f32 v20, v9;
	v20 =	vld [tilespmem:s23+$0x4400]  }
.Ltmp3:
0x7c: {  	[tilespmem:s23+$0xC020] =	vst v8;
	v10 =	vadd.f32 v19, v10;
	v19 =	vld [tilespmem:s23+$0x4410];
	(pc) =	sbr.rel @p0 .LBB2_5-.Ltmp3, $4  }
0x7d: {  	[tilespmem:s23+$0xC030] =	vst v9;
	v11 =	vadd.f32 v16, v11;
	v16 =	vld [tilespmem:s23+$0x4420]  }
0x7e: {  	[tilespmem:s23+$0xC040] =	vst v10;
	v12 =	vadd.f32 v17, v12;
	v17 =	vld [tilespmem:s23+$0x4430]  }
0x7f: {  	s24 =	sadd.s32 $0x80, s24;
	[tilespmem:s23+$0xC050] =	vst v11;
	v14 =	vadd.f32 v18, v14;
	v18 =	vld [tilespmem:s23+$0x4440]  }
0x80: {  	s28 =	sand.u32 $0x380, s24;
	s26 =	sand.u32 $0x3800, s25;
	s25 =	sadd.s32 $0x100, s25;
	[tilespmem:s23+$0xC060] =	vst v12;
	v15 =	vadd.f32 v20, v15;
	v20 =	vld [tilespmem:s23+$0x4450]  }
0x81: {  	[tilespmem:s23+$0xC070] =	vst v14;
	s24 =	sor.u32 s28, s26;
	v21 =	vld [tilespmem:s23+$0x4460];
	v19 =	vadd.f32 v19, v4  }
0x82: {  	v22 =	vld [tilespmem:s24+$0x4470];
	[tilespmem:s23+$0xC400] =	vst v15;
	v16 =	vadd.f32 v16, v5  }
0x83: {  	v4 =	vld [tilespmem:s24+$0x4000];
	[tilespmem:s23+$0xC410] =	vst v19;
	v17 =	vadd.f32 v17, v3  }
0x84: {  	v5 =	vld [tilespmem:s24+$0x4010];
	[tilespmem:s23+$0xC420] =	vst v16;
	v18 =	vadd.f32 v18, v2  }
0x85: {  	v3 =	vld [tilespmem:s24+$0x4020];
	[tilespmem:s23+$0xC430] =	vst v17;
	v20 =	vadd.f32 v20, v1  }
0x86: {  	v23 =	vld [tilespmem:s24+$0x4030];
	[tilespmem:s23+$0xC440] =	vst v18;
	v21 =	vadd.f32 v21, v0  }
0x87: {  	v24 =	vld [tilespmem:s24+$0x4040];
	[tilespmem:s23+$0xC450] =	vst v20;
	v0 =	vadd.f32 v22, v6  }
0x88: {  	v6 =	vld [tilespmem:s24+$0x4050];
	v1 =	vadd.f32 v4, v7;
	[tilespmem:s23+$0xC460] =	vst v21  }
0x89: {  	v2 =	vadd.f32 v5, v13;
	v7 =	vld [tilespmem:s24+$0x4060];
	[tilespmem:s24+$0xC470] =	vst v0  }
0x8a: {  	v13 =	vld [tilespmem:s24+$0x4400];
	[tilespmem:s24+$0xC000] =	vst v1;
	v3 =	vadd.f32 v3, v8  }
0x8b: {  	v8 =	vld [tilespmem:s24+$0x4070];
	[tilespmem:s24+$0xC010] =	vst v2;
	v4 =	vadd.f32 v23, v9  }
0x8c: {  	[tilespmem:s24+$0xC020] =	vst v3;
	v5 =	vadd.f32 v24, v10;
	v10 =	vld [tilespmem:s24+$0x4410]  }
0x8d: {  	[tilespmem:s24+$0xC030] =	vst v4;
	v6 =	vadd.f32 v6, v11;
	v11 =	vld [tilespmem:s24+$0x4420]  }
0x8e: {  	v63 =	vld [tilespmem:s24+$0x4450];
	[tilespmem:s24+$0xC040] =	vst v5;
	v7 =	vadd.f32 v7, v12  }
0x8f: {  	v12 =	vld [tilespmem:s24+$0x4430];
	v13 =	vadd.f32 v13, v15;
	[tilespmem:s24+$0xC050] =	vst v6  }
0x90: {  	v62 =	vld [tilespmem:s24+$0x4440];
	v9 =	vadd.f32 v8, v14;
	[tilespmem:s24+$0xC060] =	vst v7  }
0x91: {  	[tilespmem:s24+$0xC400] =	vst v13;
	v8 =	vadd.f32 v10, v19;
	v10 =	vld [tilespmem:s24+$0x4460]  }
0x92: {  	[tilespmem:s24+$0xC070] =	vst v9;
	v15 =	vadd.f32 v11, v16  }
0x93: {  	v11 =	vadd.f32 v63, v20;
	[tilespmem:s24+$0xC410] =	vst v8  }
0x94: {  	v14 =	vadd.f32 v12, v17;
	[tilespmem:s24+$0xC420] =	vst v15  }
.Ltmp4:
0x95: {  	v12 =	vadd.f32 v62, v18;
	[tilespmem:s24+$0xC450] =	vst v11;
	(pc) =	sbr.rel @p1 .LBB2_8-.Ltmp4, $4  }
0x96: {  	[tilespmem:s24+$0xC430] =	vst v14;
	v10 =	vadd.f32 v10, v21  }
0x97: {  	[tilespmem:s24+$0xC440] =	vst v12  }
0x98: {  	s22 =	sadd.s32 s22, s9;
	[tilespmem:s24+$0xC460] =	vst v10  }
0x99: {  	[hbm4b:s22+s11] =	stream.strided.scatter [tilespmem:s16], [sflag:$0x4], $0x4000, s12, s11, $0x38;
	[tilespmem:$0x10000] =	vst v63  }
0x9a: {  	s21 =	sadd.s32 $0x3, s21  }
0x9b: {  	s22 =	sshrl.u32 s21, $0x6  }
0x9c: {  	s21 =	sshll.u32 s21, $0xE;
	s22 =	sadd.s32 s3, s22  }
.Ltmp5:
0x9d: {  	s23 =	sshll.u32 s22, $0x11;
	s22 =	sshll.u32 s22, $0x8;
	(pc) =	sbr.rel .LBB2_2-.Ltmp5, $4  }
0x9e: {  	s21 =	sand.u32 $0xFC000, s21;
	s23 =	sand.u32 $0xFF00000, s23;
	s22 =	sand.u32 $0x700, s22  }
0x9f: {  	s21 =	sor.u32 s23, s21;
	s22 =	sadd.s32 s2, s22  }
0xa0: {  	s20 =	sadd.s32 $0x1, s20;
	s21 =	sadd.s32 s21, s22  }
0xa1: {  	[tilespmem:s12], [sflag:$0x2] =	stream.strided.gather [hbm4b:s21+s11], $0x4000, s12, s11, $0x38;
	[tilespmem:$0x10000] =	vst v63  }
.LBB2_9:
0xa2: {  	_ =	sfence.sel $0x180000  }
0xa3: {  	[bflag:$0x0] =	sbarrier.arrive $0xFFFF  }
0xa4: {  	p0 =	sne.s32 s0, $0x0;
	_ =	strace $0x90000047  }
0xa5: {  	s0 =	sadd.s32 @!p0 $0x100000, s1;
	[bflag:$0x2] =	sbarrier.arrive $0xFFFF  }
0xa6: {  	[sflag:s0] =	ssyncadd.tile.s32 @!p0 $0x1;
	_ =	shalt  }
.Lfunc_end2:
_tile_overlayer_lowered:
.L_overlay_start_2:
0xa7: {  	(tag) =	ssettag $0x2  }
0xa8: {  	s0 =	rddreg [dreg:$0x0];
	s2 =	stileid.u32  }
0xa9: {  	s1 =	rddreg [dreg:$0x1];
	p0 =	sne.s32 s2, $0x0  }
0xaa: {  	s3 =	rddreg [dreg:$0x2];
	[bflag:$0x3] =	sbarrier.arrive $0xFFFF;
	s2 =	simm.s32 @!p0 $0x1C05  }
0xab: {  	[timem:s3], [sflag:s2] =	dma.local @!p0 [hbm:s0], s1  }
0xac: {  	s0 =	simm.s32 @!p0 $0x5  }
0xad: {  	_ =	swait.ge @!p0 [sflag:s0], s1  }
0xae: {  	s1 =	ssub.s32 @!p0 $0x0, s1;
	[sflag:s0] =	ssyncset.done @!p0 $0x0  }
0xaf: {  	[sflag:s0] =	ssyncadd.s32 @!p0 s1  }
0xb0: {  	[bflag:$0x3] =	sbarrier.arrive $0xFFFF  }
0xb1: {  	_ =	shalt  }

</sc_bundles>
